<compile_context>
chip_gen: v7x
topology: tpu7x:2x2x1
jax: 0.10.2.dev20260603
libtpu: 0.0.44.dev20260713+nightly
codegen_flags: <defaults>
</compile_context>

<pallas_src>
import functools

import jax
import jax.numpy as jnp
from jax import lax
from jax.experimental import pallas as pl
from jax.experimental.pallas import tpu as pltpu
from jax.experimental.pallas import tpu_sc as plsc

N = 10000
E = 320000
D_IN = 128
D_HID = 64
D_OUT = 128
F = 128

NC = 2
NS = 16
NW = NC * NS
EPW = E // NW
K = 80
CH = EPW // K

NA = 10240
RPT = NA // NS
R = 400
GRID = N // R



def _sc_body(p_hbm, src_hbm, dst_hbm, z128,
             out_ref, srcb, dstb, srcb1, dstb1, rows, acc_sh, gsem, ssem):
    c = lax.axis_index("c")
    s = lax.axis_index("s")
    wid = s * NC + c
    base = wid * EPW

    pltpu.sync_copy(z128, acc_sh.at[pl.ds(s * RPT, RPT)])
    plsc.subcore_barrier()

    def load_idx(i, sb, db):
        b = base + i * K
        pltpu.sync_copy(src_hbm.at[pl.ds(b, K)], sb)
        pltpu.sync_copy(dst_hbm.at[pl.ds(b, K)], db)

    def half(i, cur, nxt):
        sb, db = cur
        nsb, ndb = nxt
        gat = pltpu.make_async_copy(p_hbm.at[sb], rows, gsem)
        gat.start()
        nb = base + lax.min(i + 1, CH - 1) * K
        pltpu.sync_copy(src_hbm.at[pl.ds(nb, K)], nsb)
        gat.wait()
        pltpu.async_copy(rows, acc_sh.at[db], ssem, add=True)
        pltpu.sync_copy(dst_hbm.at[pl.ds(nb, K)], ndb)
        pltpu.make_async_copy(rows, acc_sh.at[db], ssem).wait()

    b0 = (srcb, dstb)
    b1 = (srcb1, dstb1)
    load_idx(0, *b0)

    def body(g, carry):
        half(2 * g, b0, b1)
        half(2 * g + 1, b1, b0)
        return carry

    lax.fori_loop(0, CH // 2, body, 0, unroll=False)
    half(CH - 1, b0, b1)
    plsc.subcore_barrier()

    pltpu.sync_copy(acc_sh.at[pl.ds(s * RPT, RPT)],
                    out_ref.at[c, pl.ds(s * RPT, RPT)])


def _make_sc_segsum():
    mesh = plsc.VectorSubcoreMesh(core_axis_name="c", subcore_axis_name="s",
                                  num_cores=NC, num_subcores=NS)
    out_type = jax.ShapeDtypeStruct((NC, NA, F), jnp.float32)
    scratch = [
        pltpu.VMEM((K,), jnp.int32),
        pltpu.VMEM((K,), jnp.int32),
        pltpu.VMEM((K,), jnp.int32),
        pltpu.VMEM((K,), jnp.int32),
        pltpu.VMEM((K, F), jnp.float32),
        pltpu.VMEM_SHARED((NA, F), jnp.float32),
        pltpu.SemaphoreType.DMA,
        pltpu.SemaphoreType.DMA,
    ]
    return pl.kernel(_sc_body, out_type=out_type, mesh=mesh,
                     scratch_types=scratch)



def _p1_body(x_ref, w1l, o_ref):
    p = jnp.dot(x_ref[...], w1l[...], preferred_element_type=jnp.float32)
    one = jnp.ones((N, 1), jnp.float32)
    zero = jnp.zeros((N, F - D_HID - 1), jnp.float32)
    o_ref[...] = jnp.concatenate([p, one, zero], axis=1)


def _p1(x, W1l):
    return pl.pallas_call(
        _p1_body,
        out_shape=jax.ShapeDtypeStruct((N, F), jnp.float32),
    )(x, W1l)


def _agg_from(acc_ref, deg_ref):
    deg = (deg_ref[0, :N, D_HID:D_HID + 1]
           + deg_ref[1, :N, D_HID:D_HID + 1])
    inv = 1.0 / jnp.maximum(deg, 1.0)
    return (acc_ref[0, :N, :D_HID] + acc_ref[1, :N, :D_HID]) * inv


def _c1_body(acc1, x_ref, w1r, b1, w2l, h1_ref, p2_ref):
    agg = _agg_from(acc1, acc1)
    h1 = jnp.maximum(
        agg + b1[...]
        + jnp.dot(x_ref[...], w1r[...], preferred_element_type=jnp.float32),
        0.0)
    h1_ref[...] = h1
    p2 = jnp.dot(h1, w2l[...], preferred_element_type=jnp.float32)
    p2_ref[...] = jnp.concatenate(
        [p2, jnp.zeros((N, F - D_HID), jnp.float32)], axis=1)


def _c1(acc1, x, W1r, b1, W2l):
    return pl.pallas_call(
        _c1_body,
        out_shape=[jax.ShapeDtypeStruct((N, D_HID), jnp.float32),
                   jax.ShapeDtypeStruct((N, F), jnp.float32)],
    )(acc1, x, W1r, b1, W2l)


def _c2_body(acc2, acc1, h1_ref, w2r, b2, h2_ref):
    agg = _agg_from(acc2, acc1)
    h2 = jnp.maximum(
        agg + b2[...]
        + jnp.dot(h1_ref[...], w2r[...], preferred_element_type=jnp.float32),
        0.0)
    h2_ref[...] = jnp.concatenate(
        [h2, jnp.zeros((N, F - D_HID), jnp.float32)], axis=1)


def _c2(acc2, acc1, h1, W2r, b2):
    return pl.pallas_call(
        _c2_body,
        out_shape=jax.ShapeDtypeStruct((N, F), jnp.float32),
    )(acc2, acc1, h1, W2r, b2)


def _c3_body(acc3, acc1, h2_ref, w3l, b3, w3r, o_ref):
    agg = _agg_from(acc3, acc1)
    o_ref[...] = (
        jnp.dot(agg, w3l[...], preferred_element_type=jnp.float32)
        + b3[...]
        + jnp.dot(h2_ref[...], w3r[...], preferred_element_type=jnp.float32))


def _c3(acc3, acc1, h2p, W3l, b3, W3rp):
    return pl.pallas_call(
        _c3_body,
        out_shape=jax.ShapeDtypeStruct((N, D_OUT), jnp.float32),
    )(acc3, acc1, h2p, W3l, b3, W3rp)



def kernel(x, index, W1l, b1, W1r, W2l, b2, W2r, W3l, b3, W3r):
    src = index[0].astype(jnp.int32)
    dst = index[1].astype(jnp.int32)
    z128 = jnp.zeros((RPT, F), jnp.float32)
    W3rp = jnp.concatenate(
        [W3r, jnp.zeros((F - D_HID, D_OUT), jnp.float32)], axis=0)
    b1r = b1.reshape(1, D_HID)
    b2r = b2.reshape(1, D_HID)
    b3r = b3.reshape(1, D_OUT)

    segsum = _make_sc_segsum()

    p1 = _p1(x, W1l)
    acc1 = segsum(p1, src, dst, z128)
    h1, p2 = _c1(acc1, x, W1r, b1r, W2l)
    acc2 = segsum(p2, src, dst, z128)
    h2p = _c2(acc2, acc1, h1, W2r, b2r)
    acc3 = segsum(h2p, src, dst, z128)
    return _c3(acc3, acc1, h2p, W3l, b3r, W3rp)

# --- scband reference (transcript-rebuilt; emitter-appended) ---
"""Pipeline reference for scband-graph-encoder-8418135900909 (READ-ONLY COPY).

The authoritative reference and input builder live on the scoring server;
editing this copy changes nothing except your own understanding.
"""

import jax, jax.numpy as jnp
import numpy as np

N_NODES = 10000
N_EDGES = 320000
D_IN = 128
D_HID = 64
D_OUT = 128


def setup_inputs(seed: int = 0) -> dict:
    key = jax.random.key(seed)
    ks = jax.random.split(key, 12)
    x = jax.random.normal(ks[0], (N_NODES, D_IN), dtype=jnp.float32)
    index = jax.random.randint(ks[1], (2, N_EDGES), 0, N_NODES, dtype=jnp.int64)
    def lin(k, fin, fout):
        return jax.random.normal(k, (fin, fout), dtype=jnp.float32) * (1.0 / np.sqrt(fin))
    # GraphSAGE(in=128, hidden=64, num_layers=3, out=128); each SAGEConv:
    # out = lin_l(mean_aggr(x_j)) + lin_r(x_i); lin_l has bias, lin_r does not.
    return {
        "x": x,
        "index": index,
        "W1l": lin(ks[2], D_IN, D_HID), "b1": jnp.zeros((D_HID,), jnp.float32), "W1r": lin(ks[3], D_IN, D_HID),
        "W2l": lin(ks[4], D_HID, D_HID), "b2": jnp.zeros((D_HID,), jnp.float32), "W2r": lin(ks[5], D_HID, D_HID),
        "W3l": lin(ks[6], D_HID, D_OUT), "b3": jnp.zeros((D_OUT,), jnp.float32), "W3r": lin(ks[7], D_HID, D_OUT),
    }


def _sage_conv(x, src, dst, Wl, b, Wr, n_nodes):
    msgs = jnp.take(x, src, axis=0)
    agg = jax.ops.segment_sum(msgs, dst, num_segments=n_nodes)
    deg = jax.ops.segment_sum(jnp.ones((src.shape[0],), x.dtype), dst, num_segments=n_nodes)
    agg = agg / jnp.clip(deg, 1.0, None)[:, None]
    return agg @ Wl + b + x @ Wr


def reference(x, index, W1l, b1, W1r, W2l, b2, W2r, W3l, b3, W3r):
    src = index[0]
    dst = index[1]
    n = x.shape[0]
    h = _sage_conv(x, src, dst, W1l, b1, W1r, n)
    h = jax.nn.relu(h)
    h = _sage_conv(h, src, dst, W2l, b2, W2r, n)
    h = jax.nn.relu(h)
    h = _sage_conv(h, src, dst, W3l, b3, W3r, n)
    return h

if __name__ == "__main__":
    import jax
    _d = setup_inputs()
    print(jax.jit(kernel)(*tuple(_d.values())))

</pallas_src>

<mosaic_0001>
#map = affine_map<(d0, d1) -> (0, 0)>
#map1 = affine_map<(d0, d1) -> (0)>
#map2 = affine_map<(d0, d1) -> (0, 0, 0)>
module attributes {stable_mosaic.version = 14 : i64} {
  func.func @_sc_body(%arg0: i32, %arg1: i32, %arg2: memref<10000x128xf32, #tpu.memory_space<hbm>>, %arg3: memref<320000xi32, #tpu.memory_space<hbm>>, %arg4: memref<320000xi32, #tpu.memory_space<hbm>>, %arg5: memref<640x128xf32, #tpu.memory_space<hbm>>, %arg6: memref<2x10240x128xf32, #tpu.memory_space<hbm>>, %arg7: memref<80xi32, #tpu.memory_space<vmem>>, %arg8: memref<80xi32, #tpu.memory_space<vmem>>, %arg9: memref<80xi32, #tpu.memory_space<vmem>>, %arg10: memref<80xi32, #tpu.memory_space<vmem>>, %arg11: memref<80x128xf32, #tpu.memory_space<vmem>>, %arg12: memref<10240x128xf32, #tpu.memory_space<vmem_shared>>, %arg13: memref<!tpu.dma_semaphore, #tpu.memory_space<semaphore_mem>>, %arg14: memref<!tpu.dma_semaphore, #tpu.memory_space<semaphore_mem>>) attributes {dimension_semantics = [#tpu.dimension_semantics<core_parallel>, #tpu.dimension_semantics<subcore_parallel>], iteration_bounds = array<i64: 2, 16>, scalar_prefetch = 0 : i64, scratch_operands = 8 : i64, tpu.core_type = #tpu.core_type<sc_vector_subcore>, window_params = [{transform_indices = #map}, {transform_indices = #map1}, {transform_indices = #map1}, {transform_indices = #map}, {transform_indices = #map2}]} {
    %mul3A = arith.constant 2 : i32
    %mul3A_0 = arith.muli %arg1, %mul3A : i32
    %add3A = arith.addi %mul3A_0, %arg0 : i32
    %mul3A_1 = arith.constant 10000 : i32
    %mul3A_2 = arith.muli %add3A, %mul3A_1 : i32
    %mul3A_3 = arith.constant 640 : i32
    %mul3A_4 = arith.muli %arg1, %mul3A_3 : i32
    "tpu.region"() ({
      %run_scoped3A = tpu.sem_alloc : memref<!tpu.dma_semaphore, #tpu.memory_space<semaphore_mem>>
      %dma_start3A_32 = arith.constant 0 : i32
      %dma_start3A_33 = tpu.memref_slice %arg12[%mul3A_4, %dma_start3A_32] : memref<10240x128xf32, #tpu.memory_space<vmem_shared>> -> memref<640x128xf32, #tpu.memory_space<vmem_shared>>
      tpu.enqueue_dma source(%arg5 : memref<640x128xf32, #tpu.memory_space<hbm>>) target(%dma_start3A_33 : memref<640x128xf32, #tpu.memory_space<vmem_shared>>) target_semaphore(%run_scoped3A : memref<!tpu.dma_semaphore, #tpu.memory_space<semaphore_mem>>)
      %dma_wait3A_34 = arith.constant 0 : i32
      %dma_wait3A_35 = tpu.memref_slice %arg12[%mul3A_4, %dma_wait3A_34] : memref<10240x128xf32, #tpu.memory_space<vmem_shared>> -> memref<640x128xf32, #tpu.memory_space<vmem_shared>>
      tpu.wait_dma2 semaphore(%run_scoped3A : memref<!tpu.dma_semaphore, #tpu.memory_space<semaphore_mem>>) src(%arg5 : memref<640x128xf32, #tpu.memory_space<hbm>>) dst(%dma_wait3A_35 : memref<640x128xf32, #tpu.memory_space<vmem_shared>>)
      tpu.yield
    }) : () -> ()
    %barrier3A = arith.constant 0 : index
    tpu.barrier barrier_id(%barrier3A)
    %add3A_5 = arith.constant 0 : i32
    %add3A_6 = arith.addi %mul3A_2, %add3A_5 : i32
    "tpu.region"() ({
      %run_scoped3A = tpu.sem_alloc : memref<!tpu.dma_semaphore, #tpu.memory_space<semaphore_mem>>
      %dma_start3A_32 = tpu.memref_slice %arg3[%add3A_6] : memref<320000xi32, #tpu.memory_space<hbm>> -> memref<80xi32, #tpu.memory_space<hbm>>
      %dma_start3A_33 = tpu.memref_slice %arg3[%add3A_6] : memref<320000xi32, #tpu.memory_space<hbm>> -> memref<80xi32, #tpu.memory_space<hbm>>
      tpu.enqueue_dma source(%dma_start3A_33 : memref<80xi32, #tpu.memory_space<hbm>>) target(%arg7 : memref<80xi32, #tpu.memory_space<vmem>>) target_semaphore(%run_scoped3A : memref<!tpu.dma_semaphore, #tpu.memory_space<semaphore_mem>>)
      %dma_wait3A_34 = tpu.memref_slice %arg3[%add3A_6] : memref<320000xi32, #tpu.memory_space<hbm>> -> memref<80xi32, #tpu.memory_space<hbm>>
      %dma_wait3A_35 = tpu.memref_slice %arg3[%add3A_6] : memref<320000xi32, #tpu.memory_space<hbm>> -> memref<80xi32, #tpu.memory_space<hbm>>
      tpu.wait_dma2 semaphore(%run_scoped3A : memref<!tpu.dma_semaphore, #tpu.memory_space<semaphore_mem>>) src(%dma_wait3A_35 : memref<80xi32, #tpu.memory_space<hbm>>) dst(%arg7 : memref<80xi32, #tpu.memory_space<vmem>>)
      tpu.yield
    }) : () -> ()
    "tpu.region"() ({
      %run_scoped3A = tpu.sem_alloc : memref<!tpu.dma_semaphore, #tpu.memory_space<semaphore_mem>>
      %dma_start3A_32 = tpu.memref_slice %arg4[%add3A_6] : memref<320000xi32, #tpu.memory_space<hbm>> -> memref<80xi32, #tpu.memory_space<hbm>>
      %dma_start3A_33 = tpu.memref_slice %arg4[%add3A_6] : memref<320000xi32, #tpu.memory_space<hbm>> -> memref<80xi32, #tpu.memory_space<hbm>>
      tpu.enqueue_dma source(%dma_start3A_33 : memref<80xi32, #tpu.memory_space<hbm>>) target(%arg8 : memref<80xi32, #tpu.memory_space<vmem>>) target_semaphore(%run_scoped3A : memref<!tpu.dma_semaphore, #tpu.memory_space<semaphore_mem>>)
      %dma_wait3A_34 = tpu.memref_slice %arg4[%add3A_6] : memref<320000xi32, #tpu.memory_space<hbm>> -> memref<80xi32, #tpu.memory_space<hbm>>
      %dma_wait3A_35 = tpu.memref_slice %arg4[%add3A_6] : memref<320000xi32, #tpu.memory_space<hbm>> -> memref<80xi32, #tpu.memory_space<hbm>>
      tpu.wait_dma2 semaphore(%run_scoped3A : memref<!tpu.dma_semaphore, #tpu.memory_space<semaphore_mem>>) src(%dma_wait3A_35 : memref<80xi32, #tpu.memory_space<hbm>>) dst(%arg8 : memref<80xi32, #tpu.memory_space<vmem>>)
      tpu.yield
    }) : () -> ()
    %scan3A = arith.constant 0 : i32
    %scan3A_7 = arith.constant 0 : i32
    %scan3A_8 = arith.constant 62 : i32
    %scan3A_9 = arith.addi %scan3A_7, %scan3A_8 : i32
    %scan3A_10 = arith.constant 1 : i32
    scf.for %scan3A_32 = %scan3A_7 to %scan3A_9 step %scan3A_10  : i32 {
      %mul3A_33 = arith.constant 2 : i32
      %mul3A_34 = arith.muli %mul3A_33, %scan3A_32 : i32
      %dma_start3A_35 = arith.constant 0 : i32
      %dma_start3A_36 = arith.constant 0 : i32
      %dma_start3A_37 = tpu.memref_slice %arg2[%dma_start3A_35, %dma_start3A_36] : memref<10000x128xf32, #tpu.memory_space<hbm>> -> memref<10000x128xf32, #tpu.memory_space<hbm>>
      tpu.enqueue_indirect_dma source(%dma_start3A_37 : memref<10000x128xf32, #tpu.memory_space<hbm>>) target(%arg11 : memref<80x128xf32, #tpu.memory_space<vmem>>) offsets(%arg7 : memref<80xi32, #tpu.memory_space<vmem>>) semaphore(%arg13 : memref<!tpu.dma_semaphore, #tpu.memory_space<semaphore_mem>>)
      %add3A_38 = arith.constant 1 : i32
      %add3A_39 = arith.addi %mul3A_34, %add3A_38 : i32
      %min3A_40 = arith.constant 124 : i32
      %min3A_41 = arith.minsi %add3A_39, %min3A_40 : i32
      %mul3A_42 = arith.constant 80 : i32
      %mul3A_43 = arith.muli %min3A_41, %mul3A_42 : i32
      %add3A_44 = arith.addi %mul3A_2, %mul3A_43 : i32
      "tpu.region"() ({
        %run_scoped3A = tpu.sem_alloc : memref<!tpu.dma_semaphore, #tpu.memory_space<semaphore_mem>>
        %dma_start3A_77 = tpu.memref_slice %arg3[%add3A_44] : memref<320000xi32, #tpu.memory_space<hbm>> -> memref<80xi32, #tpu.memory_space<hbm>>
        %dma_start3A_78 = tpu.memref_slice %arg3[%add3A_44] : memref<320000xi32, #tpu.memory_space<hbm>> -> memref<80xi32, #tpu.memory_space<hbm>>
        tpu.enqueue_dma source(%dma_start3A_78 : memref<80xi32, #tpu.memory_space<hbm>>) target(%arg9 : memref<80xi32, #tpu.memory_space<vmem>>) target_semaphore(%run_scoped3A : memref<!tpu.dma_semaphore, #tpu.memory_space<semaphore_mem>>)
        %dma_wait3A_79 = tpu.memref_slice %arg3[%add3A_44] : memref<320000xi32, #tpu.memory_space<hbm>> -> memref<80xi32, #tpu.memory_space<hbm>>
        %dma_wait3A_80 = tpu.memref_slice %arg3[%add3A_44] : memref<320000xi32, #tpu.memory_space<hbm>> -> memref<80xi32, #tpu.memory_space<hbm>>
        tpu.wait_dma2 semaphore(%run_scoped3A : memref<!tpu.dma_semaphore, #tpu.memory_space<semaphore_mem>>) src(%dma_wait3A_80 : memref<80xi32, #tpu.memory_space<hbm>>) dst(%arg9 : memref<80xi32, #tpu.memory_space<vmem>>)
        tpu.yield
      }) : () -> ()
      %dma_wait3A_45 = arith.constant 0 : i32
      %dma_wait3A_46 = arith.constant 0 : i32
      %dma_wait3A_47 = tpu.memref_slice %arg2[%dma_wait3A_45, %dma_wait3A_46] : memref<10000x128xf32, #tpu.memory_space<hbm>> -> memref<10000x128xf32, #tpu.memory_space<hbm>>
      tpu.wait_indirect_dma semaphore(%arg13 : memref<!tpu.dma_semaphore, #tpu.memory_space<semaphore_mem>>) src(%dma_wait3A_47 : memref<10000x128xf32, #tpu.memory_space<hbm>>) dst(%arg11 : memref<80x128xf32, #tpu.memory_space<vmem>>)
      %dma_start3A_48 = arith.constant 0 : i32
      %dma_start3A_49 = arith.constant 0 : i32
      %dma_start3A_50 = tpu.memref_slice %arg12[%dma_start3A_48, %dma_start3A_49] : memref<10240x128xf32, #tpu.memory_space<vmem_shared>> -> memref<10240x128xf32, #tpu.memory_space<vmem_shared>>
      tpu.enqueue_indirect_dma source(%arg11 : memref<80x128xf32, #tpu.memory_space<vmem>>) target(%dma_start3A_50 : memref<10240x128xf32, #tpu.memory_space<vmem_shared>>) offsets(%arg8 : memref<80xi32, #tpu.memory_space<vmem>>) semaphore(%arg14 : memref<!tpu.dma_semaphore, #tpu.memory_space<semaphore_mem>>) {add = true}
      "tpu.region"() ({
        %run_scoped3A = tpu.sem_alloc : memref<!tpu.dma_semaphore, #tpu.memory_space<semaphore_mem>>
        %dma_start3A_77 = tpu.memref_slice %arg4[%add3A_44] : memref<320000xi32, #tpu.memory_space<hbm>> -> memref<80xi32, #tpu.memory_space<hbm>>
        %dma_start3A_78 = tpu.memref_slice %arg4[%add3A_44] : memref<320000xi32, #tpu.memory_space<hbm>> -> memref<80xi32, #tpu.memory_space<hbm>>
        tpu.enqueue_dma source(%dma_start3A_78 : memref<80xi32, #tpu.memory_space<hbm>>) target(%arg10 : memref<80xi32, #tpu.memory_space<vmem>>) target_semaphore(%run_scoped3A : memref<!tpu.dma_semaphore, #tpu.memory_space<semaphore_mem>>)
        %dma_wait3A_79 = tpu.memref_slice %arg4[%add3A_44] : memref<320000xi32, #tpu.memory_space<hbm>> -> memref<80xi32, #tpu.memory_space<hbm>>
        %dma_wait3A_80 = tpu.memref_slice %arg4[%add3A_44] : memref<320000xi32, #tpu.memory_space<hbm>> -> memref<80xi32, #tpu.memory_space<hbm>>
        tpu.wait_dma2 semaphore(%run_scoped3A : memref<!tpu.dma_semaphore, #tpu.memory_space<semaphore_mem>>) src(%dma_wait3A_80 : memref<80xi32, #tpu.memory_space<hbm>>) dst(%arg10 : memref<80xi32, #tpu.memory_space<vmem>>)
        tpu.yield
      }) : () -> ()
      %dma_wait3A_51 = arith.constant 0 : i32
      %dma_wait3A_52 = arith.constant 0 : i32
      %dma_wait3A_53 = tpu.memref_slice %arg12[%dma_wait3A_51, %dma_wait3A_52] : memref<10240x128xf32, #tpu.memory_space<vmem_shared>> -> memref<10240x128xf32, #tpu.memory_space<vmem_shared>>
      tpu.wait_indirect_dma semaphore(%arg14 : memref<!tpu.dma_semaphore, #tpu.memory_space<semaphore_mem>>) src(%arg11 : memref<80x128xf32, #tpu.memory_space<vmem>>) dst(%dma_wait3A_53 : memref<10240x128xf32, #tpu.memory_space<vmem_shared>>)
      %mul3A_54 = arith.constant 2 : i32
      %mul3A_55 = arith.muli %mul3A_54, %scan3A_32 : i32
      %add3A_56 = arith.constant 1 : i32
      %add3A_57 = arith.addi %mul3A_55, %add3A_56 : i32
      %dma_start3A_58 = arith.constant 0 : i32
      %dma_start3A_59 = arith.constant 0 : i32
      %dma_start3A_60 = tpu.memref_slice %arg2[%dma_start3A_58, %dma_start3A_59] : memref<10000x128xf32, #tpu.memory_space<hbm>> -> memref<10000x128xf32, #tpu.memory_space<hbm>>
      tpu.enqueue_indirect_dma source(%dma_start3A_60 : memref<10000x128xf32, #tpu.memory_space<hbm>>) target(%arg11 : memref<80x128xf32, #tpu.memory_space<vmem>>) offsets(%arg9 : memref<80xi32, #tpu.memory_space<vmem>>) semaphore(%arg13 : memref<!tpu.dma_semaphore, #tpu.memory_space<semaphore_mem>>)
      %add3A_61 = arith.constant 1 : i32
      %add3A_62 = arith.addi %add3A_57, %add3A_61 : i32
      %min3A_63 = arith.constant 124 : i32
      %min3A_64 = arith.minsi %add3A_62, %min3A_63 : i32
      %mul3A_65 = arith.constant 80 : i32
      %mul3A_66 = arith.muli %min3A_64, %mul3A_65 : i32
      %add3A_67 = arith.addi %mul3A_2, %mul3A_66 : i32
      "tpu.region"() ({
        %run_scoped3A = tpu.sem_alloc : memref<!tpu.dma_semaphore, #tpu.memory_space<semaphore_mem>>
        %dma_start3A_77 = tpu.memref_slice %arg3[%add3A_67] : memref<320000xi32, #tpu.memory_space<hbm>> -> memref<80xi32, #tpu.memory_space<hbm>>
        %dma_start3A_78 = tpu.memref_slice %arg3[%add3A_67] : memref<320000xi32, #tpu.memory_space<hbm>> -> memref<80xi32, #tpu.memory_space<hbm>>
        tpu.enqueue_dma source(%dma_start3A_78 : memref<80xi32, #tpu.memory_space<hbm>>) target(%arg7 : memref<80xi32, #tpu.memory_space<vmem>>) target_semaphore(%run_scoped3A : memref<!tpu.dma_semaphore, #tpu.memory_space<semaphore_mem>>)
        %dma_wait3A_79 = tpu.memref_slice %arg3[%add3A_67] : memref<320000xi32, #tpu.memory_space<hbm>> -> memref<80xi32, #tpu.memory_space<hbm>>
        %dma_wait3A_80 = tpu.memref_slice %arg3[%add3A_67] : memref<320000xi32, #tpu.memory_space<hbm>> -> memref<80xi32, #tpu.memory_space<hbm>>
        tpu.wait_dma2 semaphore(%run_scoped3A : memref<!tpu.dma_semaphore, #tpu.memory_space<semaphore_mem>>) src(%dma_wait3A_80 : memref<80xi32, #tpu.memory_space<hbm>>) dst(%arg7 : memref<80xi32, #tpu.memory_space<vmem>>)
        tpu.yield
      }) : () -> ()
      %dma_wait3A_68 = arith.constant 0 : i32
      %dma_wait3A_69 = arith.constant 0 : i32
      %dma_wait3A_70 = tpu.memref_slice %arg2[%dma_wait3A_68, %dma_wait3A_69] : memref<10000x128xf32, #tpu.memory_space<hbm>> -> memref<10000x128xf32, #tpu.memory_space<hbm>>
      tpu.wait_indirect_dma semaphore(%arg13 : memref<!tpu.dma_semaphore, #tpu.memory_space<semaphore_mem>>) src(%dma_wait3A_70 : memref<10000x128xf32, #tpu.memory_space<hbm>>) dst(%arg11 : memref<80x128xf32, #tpu.memory_space<vmem>>)
      %dma_start3A_71 = arith.constant 0 : i32
      %dma_start3A_72 = arith.constant 0 : i32
      %dma_start3A_73 = tpu.memref_slice %arg12[%dma_start3A_71, %dma_start3A_72] : memref<10240x128xf32, #tpu.memory_space<vmem_shared>> -> memref<10240x128xf32, #tpu.memory_space<vmem_shared>>
      tpu.enqueue_indirect_dma source(%arg11 : memref<80x128xf32, #tpu.memory_space<vmem>>) target(%dma_start3A_73 : memref<10240x128xf32, #tpu.memory_space<vmem_shared>>) offsets(%arg10 : memref<80xi32, #tpu.memory_space<vmem>>) semaphore(%arg14 : memref<!tpu.dma_semaphore, #tpu.memory_space<semaphore_mem>>) {add = true}
      "tpu.region"() ({
        %run_scoped3A = tpu.sem_alloc : memref<!tpu.dma_semaphore, #tpu.memory_space<semaphore_mem>>
        %dma_start3A_77 = tpu.memref_slice %arg4[%add3A_67] : memref<320000xi32, #tpu.memory_space<hbm>> -> memref<80xi32, #tpu.memory_space<hbm>>
        %dma_start3A_78 = tpu.memref_slice %arg4[%add3A_67] : memref<320000xi32, #tpu.memory_space<hbm>> -> memref<80xi32, #tpu.memory_space<hbm>>
        tpu.enqueue_dma source(%dma_start3A_78 : memref<80xi32, #tpu.memory_space<hbm>>) target(%arg8 : memref<80xi32, #tpu.memory_space<vmem>>) target_semaphore(%run_scoped3A : memref<!tpu.dma_semaphore, #tpu.memory_space<semaphore_mem>>)
        %dma_wait3A_79 = tpu.memref_slice %arg4[%add3A_67] : memref<320000xi32, #tpu.memory_space<hbm>> -> memref<80xi32, #tpu.memory_space<hbm>>
        %dma_wait3A_80 = tpu.memref_slice %arg4[%add3A_67] : memref<320000xi32, #tpu.memory_space<hbm>> -> memref<80xi32, #tpu.memory_space<hbm>>
        tpu.wait_dma2 semaphore(%run_scoped3A : memref<!tpu.dma_semaphore, #tpu.memory_space<semaphore_mem>>) src(%dma_wait3A_80 : memref<80xi32, #tpu.memory_space<hbm>>) dst(%arg8 : memref<80xi32, #tpu.memory_space<vmem>>)
        tpu.yield
      }) : () -> ()
      %dma_wait3A_74 = arith.constant 0 : i32
      %dma_wait3A_75 = arith.constant 0 : i32
      %dma_wait3A_76 = tpu.memref_slice %arg12[%dma_wait3A_74, %dma_wait3A_75] : memref<10240x128xf32, #tpu.memory_space<vmem_shared>> -> memref<10240x128xf32, #tpu.memory_space<vmem_shared>>
      tpu.wait_indirect_dma semaphore(%arg14 : memref<!tpu.dma_semaphore, #tpu.memory_space<semaphore_mem>>) src(%arg11 : memref<80x128xf32, #tpu.memory_space<vmem>>) dst(%dma_wait3A_76 : memref<10240x128xf32, #tpu.memory_space<vmem_shared>>)
    }
    %scan3A_11 = arith.constant 62 : i32
    %dma_start3A = arith.constant 0 : i32
    %dma_start3A_12 = arith.constant 0 : i32
    %dma_start3A_13 = tpu.memref_slice %arg2[%dma_start3A, %dma_start3A_12] : memref<10000x128xf32, #tpu.memory_space<hbm>> -> memref<10000x128xf32, #tpu.memory_space<hbm>>
    tpu.enqueue_indirect_dma source(%dma_start3A_13 : memref<10000x128xf32, #tpu.memory_space<hbm>>) target(%arg11 : memref<80x128xf32, #tpu.memory_space<vmem>>) offsets(%arg7 : memref<80xi32, #tpu.memory_space<vmem>>) semaphore(%arg13 : memref<!tpu.dma_semaphore, #tpu.memory_space<semaphore_mem>>)
    %min3A = arith.constant 125 : i32
    %min3A_14 = arith.constant 124 : i32
    %min3A_15 = arith.minsi %min3A, %min3A_14 : i32
    %mul3A_16 = arith.constant 80 : i32
    %mul3A_17 = arith.muli %min3A_15, %mul3A_16 : i32
    %add3A_18 = arith.addi %mul3A_2, %mul3A_17 : i32
    "tpu.region"() ({
      %run_scoped3A = tpu.sem_alloc : memref<!tpu.dma_semaphore, #tpu.memory_space<semaphore_mem>>
      %dma_start3A_32 = tpu.memref_slice %arg3[%add3A_18] : memref<320000xi32, #tpu.memory_space<hbm>> -> memref<80xi32, #tpu.memory_space<hbm>>
      %dma_start3A_33 = tpu.memref_slice %arg3[%add3A_18] : memref<320000xi32, #tpu.memory_space<hbm>> -> memref<80xi32, #tpu.memory_space<hbm>>
      tpu.enqueue_dma source(%dma_start3A_33 : memref<80xi32, #tpu.memory_space<hbm>>) target(%arg9 : memref<80xi32, #tpu.memory_space<vmem>>) target_semaphore(%run_scoped3A : memref<!tpu.dma_semaphore, #tpu.memory_space<semaphore_mem>>)
      %dma_wait3A_34 = tpu.memref_slice %arg3[%add3A_18] : memref<320000xi32, #tpu.memory_space<hbm>> -> memref<80xi32, #tpu.memory_space<hbm>>
      %dma_wait3A_35 = tpu.memref_slice %arg3[%add3A_18] : memref<320000xi32, #tpu.memory_space<hbm>> -> memref<80xi32, #tpu.memory_space<hbm>>
      tpu.wait_dma2 semaphore(%run_scoped3A : memref<!tpu.dma_semaphore, #tpu.memory_space<semaphore_mem>>) src(%dma_wait3A_35 : memref<80xi32, #tpu.memory_space<hbm>>) dst(%arg9 : memref<80xi32, #tpu.memory_space<vmem>>)
      tpu.yield
    }) : () -> ()
    %dma_wait3A = arith.constant 0 : i32
    %dma_wait3A_19 = arith.constant 0 : i32
    %dma_wait3A_20 = tpu.memref_slice %arg2[%dma_wait3A, %dma_wait3A_19] : memref<10000x128xf32, #tpu.memory_space<hbm>> -> memref<10000x128xf32, #tpu.memory_space<hbm>>
    tpu.wait_indirect_dma semaphore(%arg13 : memref<!tpu.dma_semaphore, #tpu.memory_space<semaphore_mem>>) src(%dma_wait3A_20 : memref<10000x128xf32, #tpu.memory_space<hbm>>) dst(%arg11 : memref<80x128xf32, #tpu.memory_space<vmem>>)
    %dma_start3A_21 = arith.constant 0 : i32
    %dma_start3A_22 = arith.constant 0 : i32
    %dma_start3A_23 = tpu.memref_slice %arg12[%dma_start3A_21, %dma_start3A_22] : memref<10240x128xf32, #tpu.memory_space<vmem_shared>> -> memref<10240x128xf32, #tpu.memory_space<vmem_shared>>
    tpu.enqueue_indirect_dma source(%arg11 : memref<80x128xf32, #tpu.memory_space<vmem>>) target(%dma_start3A_23 : memref<10240x128xf32, #tpu.memory_space<vmem_shared>>) offsets(%arg8 : memref<80xi32, #tpu.memory_space<vmem>>) semaphore(%arg14 : memref<!tpu.dma_semaphore, #tpu.memory_space<semaphore_mem>>) {add = true}
    "tpu.region"() ({
      %run_scoped3A = tpu.sem_alloc : memref<!tpu.dma_semaphore, #tpu.memory_space<semaphore_mem>>
      %dma_start3A_32 = tpu.memref_slice %arg4[%add3A_18] : memref<320000xi32, #tpu.memory_space<hbm>> -> memref<80xi32, #tpu.memory_space<hbm>>
      %dma_start3A_33 = tpu.memref_slice %arg4[%add3A_18] : memref<320000xi32, #tpu.memory_space<hbm>> -> memref<80xi32, #tpu.memory_space<hbm>>
      tpu.enqueue_dma source(%dma_start3A_33 : memref<80xi32, #tpu.memory_space<hbm>>) target(%arg10 : memref<80xi32, #tpu.memory_space<vmem>>) target_semaphore(%run_scoped3A : memref<!tpu.dma_semaphore, #tpu.memory_space<semaphore_mem>>)
      %dma_wait3A_34 = tpu.memref_slice %arg4[%add3A_18] : memref<320000xi32, #tpu.memory_space<hbm>> -> memref<80xi32, #tpu.memory_space<hbm>>
      %dma_wait3A_35 = tpu.memref_slice %arg4[%add3A_18] : memref<320000xi32, #tpu.memory_space<hbm>> -> memref<80xi32, #tpu.memory_space<hbm>>
      tpu.wait_dma2 semaphore(%run_scoped3A : memref<!tpu.dma_semaphore, #tpu.memory_space<semaphore_mem>>) src(%dma_wait3A_35 : memref<80xi32, #tpu.memory_space<hbm>>) dst(%arg10 : memref<80xi32, #tpu.memory_space<vmem>>)
      tpu.yield
    }) : () -> ()
    %dma_wait3A_24 = arith.constant 0 : i32
    %dma_wait3A_25 = arith.constant 0 : i32
    %dma_wait3A_26 = tpu.memref_slice %arg12[%dma_wait3A_24, %dma_wait3A_25] : memref<10240x128xf32, #tpu.memory_space<vmem_shared>> -> memref<10240x128xf32, #tpu.memory_space<vmem_shared>>
    tpu.wait_indirect_dma semaphore(%arg14 : memref<!tpu.dma_semaphore, #tpu.memory_space<semaphore_mem>>) src(%arg11 : memref<80x128xf32, #tpu.memory_space<vmem>>) dst(%dma_wait3A_26 : memref<10240x128xf32, #tpu.memory_space<vmem_shared>>)
    %barrier3A_27 = arith.constant 0 : index
    tpu.barrier barrier_id(%barrier3A_27)
    %mul3A_28 = arith.constant 640 : i32
    %mul3A_29 = arith.muli %arg1, %mul3A_28 : i32
    %mul3A_30 = arith.constant 640 : i32
    %mul3A_31 = arith.muli %arg1, %mul3A_30 : i32
    "tpu.region"() ({
      %run_scoped3A = tpu.sem_alloc : memref<!tpu.dma_semaphore, #tpu.memory_space<semaphore_mem>>
      %dma_start3A_32 = arith.constant 0 : i32
      %dma_start3A_33 = tpu.memref_slice %arg6[%arg0, %mul3A_31, %dma_start3A_32] : memref<2x10240x128xf32, #tpu.memory_space<hbm>> -> memref<1x640x128xf32, #tpu.memory_space<hbm>>
      %dma_start3A_34 = tpu.memref_squeeze %dma_start3A_33 : memref<1x640x128xf32, #tpu.memory_space<hbm>> -> memref<640x128xf32, #tpu.memory_space<hbm>>
      %dma_start3A_35 = arith.constant 0 : i32
      %dma_start3A_36 = tpu.memref_slice %arg12[%mul3A_29, %dma_start3A_35] : memref<10240x128xf32, #tpu.memory_space<vmem_shared>> -> memref<640x128xf32, #tpu.memory_space<vmem_shared>>
      tpu.enqueue_dma source(%dma_start3A_36 : memref<640x128xf32, #tpu.memory_space<vmem_shared>>) target(%dma_start3A_34 : memref<640x128xf32, #tpu.memory_space<hbm>>) target_semaphore(%run_scoped3A : memref<!tpu.dma_semaphore, #tpu.memory_space<semaphore_mem>>)
      %dma_wait3A_37 = arith.constant 0 : i32
      %dma_wait3A_38 = tpu.memref_slice %arg6[%arg0, %mul3A_31, %dma_wait3A_37] : memref<2x10240x128xf32, #tpu.memory_space<hbm>> -> memref<1x640x128xf32, #tpu.memory_space<hbm>>
      %dma_wait3A_39 = tpu.memref_squeeze %dma_wait3A_38 : memref<1x640x128xf32, #tpu.memory_space<hbm>> -> memref<640x128xf32, #tpu.memory_space<hbm>>
      %dma_wait3A_40 = arith.constant 0 : i32
      %dma_wait3A_41 = tpu.memref_slice %arg12[%mul3A_29, %dma_wait3A_40] : memref<10240x128xf32, #tpu.memory_space<vmem_shared>> -> memref<640x128xf32, #tpu.memory_space<vmem_shared>>
      tpu.wait_dma2 semaphore(%run_scoped3A : memref<!tpu.dma_semaphore, #tpu.memory_space<semaphore_mem>>) src(%dma_wait3A_41 : memref<640x128xf32, #tpu.memory_space<vmem_shared>>) dst(%dma_wait3A_39 : memref<640x128xf32, #tpu.memory_space<hbm>>)
      tpu.yield
    }) : () -> ()
    return
  }
}

#map = affine_map<(d0, d1) -> (0, 0)>
#map1 = affine_map<(d0, d1) -> (0)>
#map2 = affine_map<(d0, d1) -> (0, 0, 0)>
module attributes {stable_mosaic.version = 14 : i64} {
  func.func @_sc_body(%arg0: i32, %arg1: i32, %arg2: memref<10000x128xf32, #tpu.memory_space<hbm>>, %arg3: memref<320000xi32, #tpu.memory_space<hbm>>, %arg4: memref<320000xi32, #tpu.memory_space<hbm>>, %arg5: memref<640x128xf32, #tpu.memory_space<hbm>>, %arg6: memref<2x10240x128xf32, #tpu.memory_space<hbm>>, %arg7: memref<80xi32, #tpu.memory_space<vmem>>, %arg8: memref<80xi32, #tpu.memory_space<vmem>>, %arg9: memref<80xi32, #tpu.memory_space<vmem>>, %arg10: memref<80xi32, #tpu.memory_space<vmem>>, %arg11: memref<80x128xf32, #tpu.memory_space<vmem>>, %arg12: memref<10240x128xf32, #tpu.memory_space<vmem_shared>>, %arg13: memref<!tpu.dma_semaphore, #tpu.memory_space<semaphore_mem>>, %arg14: memref<!tpu.dma_semaphore, #tpu.memory_space<semaphore_mem>>) attributes {dimension_semantics = [#tpu.dimension_semantics<core_parallel>, #tpu.dimension_semantics<subcore_parallel>], iteration_bounds = array<i64: 2, 16>, scalar_prefetch = 0 : i64, scratch_operands = 8 : i64, tpu.core_type = #tpu.core_type<sc_vector_subcore>, window_params = [{transform_indices = #map}, {transform_indices = #map1}, {transform_indices = #map1}, {transform_indices = #map}, {transform_indices = #map2}]} {
    %mul3A = arith.constant 2 : i32
    %mul3A_0 = arith.muli %arg1, %mul3A : i32
    %add3A = arith.addi %mul3A_0, %arg0 : i32
    %mul3A_1 = arith.constant 10000 : i32
    %mul3A_2 = arith.muli %add3A, %mul3A_1 : i32
    %mul3A_3 = arith.constant 640 : i32
    %mul3A_4 = arith.muli %arg1, %mul3A_3 : i32
    "tpu.region"() ({
      %run_scoped3A = tpu.sem_alloc : memref<!tpu.dma_semaphore, #tpu.memory_space<semaphore_mem>>
      %dma_start3A_32 = arith.constant 0 : i32
      %dma_start3A_33 = tpu.memref_slice %arg12[%mul3A_4, %dma_start3A_32] : memref<10240x128xf32, #tpu.memory_space<vmem_shared>> -> memref<640x128xf32, #tpu.memory_space<vmem_shared>>
      tpu.enqueue_dma source(%arg5 : memref<640x128xf32, #tpu.memory_space<hbm>>) target(%dma_start3A_33 : memref<640x128xf32, #tpu.memory_space<vmem_shared>>) target_semaphore(%run_scoped3A : memref<!tpu.dma_semaphore, #tpu.memory_space<semaphore_mem>>)
      %dma_wait3A_34 = arith.constant 0 : i32
      %dma_wait3A_35 = tpu.memref_slice %arg12[%mul3A_4, %dma_wait3A_34] : memref<10240x128xf32, #tpu.memory_space<vmem_shared>> -> memref<640x128xf32, #tpu.memory_space<vmem_shared>>
      tpu.wait_dma2 semaphore(%run_scoped3A : memref<!tpu.dma_semaphore, #tpu.memory_space<semaphore_mem>>) src(%arg5 : memref<640x128xf32, #tpu.memory_space<hbm>>) dst(%dma_wait3A_35 : memref<640x128xf32, #tpu.memory_space<vmem_shared>>)
      tpu.yield
    }) : () -> ()
    %barrier3A = arith.constant 0 : index
    tpu.barrier barrier_id(%barrier3A)
    %add3A_5 = arith.constant 0 : i32
    %add3A_6 = arith.addi %mul3A_2, %add3A_5 : i32
    "tpu.region"() ({
      %run_scoped3A = tpu.sem_alloc : memref<!tpu.dma_semaphore, #tpu.memory_space<semaphore_mem>>
      %dma_start3A_32 = tpu.memref_slice %arg3[%add3A_6] : memref<320000xi32, #tpu.memory_space<hbm>> -> memref<80xi32, #tpu.memory_space<hbm>>
      %dma_start3A_33 = tpu.memref_slice %arg3[%add3A_6] : memref<320000xi32, #tpu.memory_space<hbm>> -> memref<80xi32, #tpu.memory_space<hbm>>
      tpu.enqueue_dma source(%dma_start3A_33 : memref<80xi32, #tpu.memory_space<hbm>>) target(%arg7 : memref<80xi32, #tpu.memory_space<vmem>>) target_semaphore(%run_scoped3A : memref<!tpu.dma_semaphore, #tpu.memory_space<semaphore_mem>>)
      %dma_wait3A_34 = tpu.memref_slice %arg3[%add3A_6] : memref<320000xi32, #tpu.memory_space<hbm>> -> memref<80xi32, #tpu.memory_space<hbm>>
      %dma_wait3A_35 = tpu.memref_slice %arg3[%add3A_6] : memref<320000xi32, #tpu.memory_space<hbm>> -> memref<80xi32, #tpu.memory_space<hbm>>
      tpu.wait_dma2 semaphore(%run_scoped3A : memref<!tpu.dma_semaphore, #tpu.memory_space<semaphore_mem>>) src(%dma_wait3A_35 : memref<80xi32, #tpu.memory_space<hbm>>) dst(%arg7 : memref<80xi32, #tpu.memory_space<vmem>>)
      tpu.yield
    }) : () -> ()
    "tpu.region"() ({
      %run_scoped3A = tpu.sem_alloc : memref<!tpu.dma_semaphore, #tpu.memory_space<semaphore_mem>>
      %dma_start3A_32 = tpu.memref_slice %arg4[%add3A_6] : memref<320000xi32, #tpu.memory_space<hbm>> -> memref<80xi32, #tpu.memory_space<hbm>>
      %dma_start3A_33 = tpu.memref_slice %arg4[%add3A_6] : memref<320000xi32, #tpu.memory_space<hbm>> -> memref<80xi32, #tpu.memory_space<hbm>>
      tpu.enqueue_dma source(%dma_start3A_33 : memref<80xi32, #tpu.memory_space<hbm>>) target(%arg8 : memref<80xi32, #tpu.memory_space<vmem>>) target_semaphore(%run_scoped3A : memref<!tpu.dma_semaphore, #tpu.memory_space<semaphore_mem>>)
      %dma_wait3A_34 = tpu.memref_slice %arg4[%add3A_6] : memref<320000xi32, #tpu.memory_space<hbm>> -> memref<80xi32, #tpu.memory_space<hbm>>
      %dma_wait3A_35 = tpu.memref_slice %arg4[%add3A_6] : memref<320000xi32, #tpu.memory_space<hbm>> -> memref<80xi32, #tpu.memory_space<hbm>>
      tpu.wait_dma2 semaphore(%run_scoped3A : memref<!tpu.dma_semaphore, #tpu.memory_space<semaphore_mem>>) src(%dma_wait3A_35 : memref<80xi32, #tpu.memory_space<hbm>>) dst(%arg8 : memref<80xi32, #tpu.memory_space<vmem>>)
      tpu.yield
    }) : () -> ()
    %scan3A = arith.constant 0 : i32
    %scan3A_7 = arith.constant 0 : i32
    %scan3A_8 = arith.constant 62 : i32
    %scan3A_9 = arith.addi %scan3A_7, %scan3A_8 : i32
    %scan3A_10 = arith.constant 1 : i32
    scf.for %scan3A_32 = %scan3A_7 to %scan3A_9 step %scan3A_10  : i32 {
      %mul3A_33 = arith.constant 2 : i32
      %mul3A_34 = arith.muli %mul3A_33, %scan3A_32 : i32
      %dma_start3A_35 = arith.constant 0 : i32
      %dma_start3A_36 = arith.constant 0 : i32
      %dma_start3A_37 = tpu.memref_slice %arg2[%dma_start3A_35, %dma_start3A_36] : memref<10000x128xf32, #tpu.memory_space<hbm>> -> memref<10000x128xf32, #tpu.memory_space<hbm>>
      tpu.enqueue_indirect_dma source(%dma_start3A_37 : memref<10000x128xf32, #tpu.memory_space<hbm>>) target(%arg11 : memref<80x128xf32, #tpu.memory_space<vmem>>) offsets(%arg7 : memref<80xi32, #tpu.memory_space<vmem>>) semaphore(%arg13 : memref<!tpu.dma_semaphore, #tpu.memory_space<semaphore_mem>>)
      %add3A_38 = arith.constant 1 : i32
      %add3A_39 = arith.addi %mul3A_34, %add3A_38 : i32
      %min3A_40 = arith.constant 124 : i32
      %min3A_41 = arith.minsi %add3A_39, %min3A_40 : i32
      %mul3A_42 = arith.constant 80 : i32
      %mul3A_43 = arith.muli %min3A_41, %mul3A_42 : i32
      %add3A_44 = arith.addi %mul3A_2, %mul3A_43 : i32
      "tpu.region"() ({
        %run_scoped3A = tpu.sem_alloc : memref<!tpu.dma_semaphore, #tpu.memory_space<semaphore_mem>>
        %dma_start3A_77 = tpu.memref_slice %arg3[%add3A_44] : memref<320000xi32, #tpu.memory_space<hbm>> -> memref<80xi32, #tpu.memory_space<hbm>>
        %dma_start3A_78 = tpu.memref_slice %arg3[%add3A_44] : memref<320000xi32, #tpu.memory_space<hbm>> -> memref<80xi32, #tpu.memory_space<hbm>>
        tpu.enqueue_dma source(%dma_start3A_78 : memref<80xi32, #tpu.memory_space<hbm>>) target(%arg9 : memref<80xi32, #tpu.memory_space<vmem>>) target_semaphore(%run_scoped3A : memref<!tpu.dma_semaphore, #tpu.memory_space<semaphore_mem>>)
        %dma_wait3A_79 = tpu.memref_slice %arg3[%add3A_44] : memref<320000xi32, #tpu.memory_space<hbm>> -> memref<80xi32, #tpu.memory_space<hbm>>
        %dma_wait3A_80 = tpu.memref_slice %arg3[%add3A_44] : memref<320000xi32, #tpu.memory_space<hbm>> -> memref<80xi32, #tpu.memory_space<hbm>>
        tpu.wait_dma2 semaphore(%run_scoped3A : memref<!tpu.dma_semaphore, #tpu.memory_space<semaphore_mem>>) src(%dma_wait3A_80 : memref<80xi32, #tpu.memory_space<hbm>>) dst(%arg9 : memref<80xi32, #tpu.memory_space<vmem>>)
        tpu.yield
      }) : () -> ()
      %dma_wait3A_45 = arith.constant 0 : i32
      %dma_wait3A_46 = arith.constant 0 : i32
      %dma_wait3A_47 = tpu.memref_slice %arg2[%dma_wait3A_45, %dma_wait3A_46] : memref<10000x128xf32, #tpu.memory_space<hbm>> -> memref<10000x128xf32, #tpu.memory_space<hbm>>
      tpu.wait_indirect_dma semaphore(%arg13 : memref<!tpu.dma_semaphore, #tpu.memory_space<semaphore_mem>>) src(%dma_wait3A_47 : memref<10000x128xf32, #tpu.memory_space<hbm>>) dst(%arg11 : memref<80x128xf32, #tpu.memory_space<vmem>>)
      %dma_start3A_48 = arith.constant 0 : i32
      %dma_start3A_49 = arith.constant 0 : i32
      %dma_start3A_50 = tpu.memref_slice %arg12[%dma_start3A_48, %dma_start3A_49] : memref<10240x128xf32, #tpu.memory_space<vmem_shared>> -> memref<10240x128xf32, #tpu.memory_space<vmem_shared>>
      tpu.enqueue_indirect_dma source(%arg11 : memref<80x128xf32, #tpu.memory_space<vmem>>) target(%dma_start3A_50 : memref<10240x128xf32, #tpu.memory_space<vmem_shared>>) offsets(%arg8 : memref<80xi32, #tpu.memory_space<vmem>>) semaphore(%arg14 : memref<!tpu.dma_semaphore, #tpu.memory_space<semaphore_mem>>) {add = true}
      "tpu.region"() ({
        %run_scoped3A = tpu.sem_alloc : memref<!tpu.dma_semaphore, #tpu.memory_space<semaphore_mem>>
        %dma_start3A_77 = tpu.memref_slice %arg4[%add3A_44] : memref<320000xi32, #tpu.memory_space<hbm>> -> memref<80xi32, #tpu.memory_space<hbm>>
        %dma_start3A_78 = tpu.memref_slice %arg4[%add3A_44] : memref<320000xi32, #tpu.memory_space<hbm>> -> memref<80xi32, #tpu.memory_space<hbm>>
        tpu.enqueue_dma source(%dma_start3A_78 : memref<80xi32, #tpu.memory_space<hbm>>) target(%arg10 : memref<80xi32, #tpu.memory_space<vmem>>) target_semaphore(%run_scoped3A : memref<!tpu.dma_semaphore, #tpu.memory_space<semaphore_mem>>)
        %dma_wait3A_79 = tpu.memref_slice %arg4[%add3A_44] : memref<320000xi32, #tpu.memory_space<hbm>> -> memref<80xi32, #tpu.memory_space<hbm>>
        %dma_wait3A_80 = tpu.memref_slice %arg4[%add3A_44] : memref<320000xi32, #tpu.memory_space<hbm>> -> memref<80xi32, #tpu.memory_space<hbm>>
        tpu.wait_dma2 semaphore(%run_scoped3A : memref<!tpu.dma_semaphore, #tpu.memory_space<semaphore_mem>>) src(%dma_wait3A_80 : memref<80xi32, #tpu.memory_space<hbm>>) dst(%arg10 : memref<80xi32, #tpu.memory_space<vmem>>)
        tpu.yield
      }) : () -> ()
      %dma_wait3A_51 = arith.constant 0 : i32
      %dma_wait3A_52 = arith.constant 0 : i32
      %dma_wait3A_53 = tpu.memref_slice %arg12[%dma_wait3A_51, %dma_wait3A_52] : memref<10240x128xf32, #tpu.memory_space<vmem_shared>> -> memref<10240x128xf32, #tpu.memory_space<vmem_shared>>
      tpu.wait_indirect_dma semaphore(%arg14 : memref<!tpu.dma_semaphore, #tpu.memory_space<semaphore_mem>>) src(%arg11 : memref<80x128xf32, #tpu.memory_space<vmem>>) dst(%dma_wait3A_53 : memref<10240x128xf32, #tpu.memory_space<vmem_shared>>)
      %mul3A_54 = arith.constant 2 : i32
      %mul3A_55 = arith.muli %mul3A_54, %scan3A_32 : i32
      %add3A_56 = arith.constant 1 : i32
      %add3A_57 = arith.addi %mul3A_55, %add3A_56 : i32
      %dma_start3A_58 = arith.constant 0 : i32
      %dma_start3A_59 = arith.constant 0 : i32
      %dma_start3A_60 = tpu.memref_slice %arg2[%dma_start3A_58, %dma_start3A_59] : memref<10000x128xf32, #tpu.memory_space<hbm>> -> memref<10000x128xf32, #tpu.memory_space<hbm>>
      tpu.enqueue_indirect_dma source(%dma_start3A_60 : memref<10000x128xf32, #tpu.memory_space<hbm>>) target(%arg11 : memref<80x128xf32, #tpu.memory_space<vmem>>) offsets(%arg9 : memref<80xi32, #tpu.memory_space<vmem>>) semaphore(%arg13 : memref<!tpu.dma_semaphore, #tpu.memory_space<semaphore_mem>>)
      %add3A_61 = arith.constant 1 : i32
      %add3A_62 = arith.addi %add3A_57, %add3A_61 : i32
      %min3A_63 = arith.constant 124 : i32
      %min3A_64 = arith.minsi %add3A_62, %min3A_63 : i32
      %mul3A_65 = arith.constant 80 : i32
      %mul3A_66 = arith.muli %min3A_64, %mul3A_65 : i32
      %add3A_67 = arith.addi %mul3A_2, %mul3A_66 : i32
      "tpu.region"() ({
        %run_scoped3A = tpu.sem_alloc : memref<!tpu.dma_semaphore, #tpu.memory_space<semaphore_mem>>
        %dma_start3A_77 = tpu.memref_slice %arg3[%add3A_67] : memref<320000xi32, #tpu.memory_space<hbm>> -> memref<80xi32, #tpu.memory_space<hbm>>
        %dma_start3A_78 = tpu.memref_slice %arg3[%add3A_67] : memref<320000xi32, #tpu.memory_space<hbm>> -> memref<80xi32, #tpu.memory_space<hbm>>
        tpu.enqueue_dma source(%dma_start3A_78 : memref<80xi32, #tpu.memory_space<hbm>>) target(%arg7 : memref<80xi32, #tpu.memory_space<vmem>>) target_semaphore(%run_scoped3A : memref<!tpu.dma_semaphore, #tpu.memory_space<semaphore_mem>>)
        %dma_wait3A_79 = tpu.memref_slice %arg3[%add3A_67] : memref<320000xi32, #tpu.memory_space<hbm>> -> memref<80xi32, #tpu.memory_space<hbm>>
        %dma_wait3A_80 = tpu.memref_slice %arg3[%add3A_67] : memref<320000xi32, #tpu.memory_space<hbm>> -> memref<80xi32, #tpu.memory_space<hbm>>
        tpu.wait_dma2 semaphore(%run_scoped3A : memref<!tpu.dma_semaphore, #tpu.memory_space<semaphore_mem>>) src(%dma_wait3A_80 : memref<80xi32, #tpu.memory_space<hbm>>) dst(%arg7 : memref<80xi32, #tpu.memory_space<vmem>>)
        tpu.yield
      }) : () -> ()
      %dma_wait3A_68 = arith.constant 0 : i32
      %dma_wait3A_69 = arith.constant 0 : i32
      %dma_wait3A_70 = tpu.memref_slice %arg2[%dma_wait3A_68, %dma_wait3A_69] : memref<10000x128xf32, #tpu.memory_space<hbm>> -> memref<10000x128xf32, #tpu.memory_space<hbm>>
      tpu.wait_indirect_dma semaphore(%arg13 : memref<!tpu.dma_semaphore, #tpu.memory_space<semaphore_mem>>) src(%dma_wait3A_70 : memref<10000x128xf32, #tpu.memory_space<hbm>>) dst(%arg11 : memref<80x128xf32, #tpu.memory_space<vmem>>)
      %dma_start3A_71 = arith.constant 0 : i32
      %dma_start3A_72 = arith.constant 0 : i32
      %dma_start3A_73 = tpu.memref_slice %arg12[%dma_start3A_71, %dma_start3A_72] : memref<10240x128xf32, #tpu.memory_space<vmem_shared>> -> memref<10240x128xf32, #tpu.memory_space<vmem_shared>>
      tpu.enqueue_indirect_dma source(%arg11 : memref<80x128xf32, #tpu.memory_space<vmem>>) target(%dma_start3A_73 : memref<10240x128xf32, #tpu.memory_space<vmem_shared>>) offsets(%arg10 : memref<80xi32, #tpu.memory_space<vmem>>) semaphore(%arg14 : memref<!tpu.dma_semaphore, #tpu.memory_space<semaphore_mem>>) {add = true}
      "tpu.region"() ({
        %run_scoped3A = tpu.sem_alloc : memref<!tpu.dma_semaphore, #tpu.memory_space<semaphore_mem>>
        %dma_start3A_77 = tpu.memref_slice %arg4[%add3A_67] : memref<320000xi32, #tpu.memory_space<hbm>> -> memref<80xi32, #tpu.memory_space<hbm>>
        %dma_start3A_78 = tpu.memref_slice %arg4[%add3A_67] : memref<320000xi32, #tpu.memory_space<hbm>> -> memref<80xi32, #tpu.memory_space<hbm>>
        tpu.enqueue_dma source(%dma_start3A_78 : memref<80xi32, #tpu.memory_space<hbm>>) target(%arg8 : memref<80xi32, #tpu.memory_space<vmem>>) target_semaphore(%run_scoped3A : memref<!tpu.dma_semaphore, #tpu.memory_space<semaphore_mem>>)
        %dma_wait3A_79 = tpu.memref_slice %arg4[%add3A_67] : memref<320000xi32, #tpu.memory_space<hbm>> -> memref<80xi32, #tpu.memory_space<hbm>>
        %dma_wait3A_80 = tpu.memref_slice %arg4[%add3A_67] : memref<320000xi32, #tpu.memory_space<hbm>> -> memref<80xi32, #tpu.memory_space<hbm>>
        tpu.wait_dma2 semaphore(%run_scoped3A : memref<!tpu.dma_semaphore, #tpu.memory_space<semaphore_mem>>) src(%dma_wait3A_80 : memref<80xi32, #tpu.memory_space<hbm>>) dst(%arg8 : memref<80xi32, #tpu.memory_space<vmem>>)
        tpu.yield
      }) : () -> ()
      %dma_wait3A_74 = arith.constant 0 : i32
      %dma_wait3A_75 = arith.constant 0 : i32
      %dma_wait3A_76 = tpu.memref_slice %arg12[%dma_wait3A_74, %dma_wait3A_75] : memref<10240x128xf32, #tpu.memory_space<vmem_shared>> -> memref<10240x128xf32, #tpu.memory_space<vmem_shared>>
      tpu.wait_indirect_dma semaphore(%arg14 : memref<!tpu.dma_semaphore, #tpu.memory_space<semaphore_mem>>) src(%arg11 : memref<80x128xf32, #tpu.memory_space<vmem>>) dst(%dma_wait3A_76 : memref<10240x128xf32, #tpu.memory_space<vmem_shared>>)
    }
    %scan3A_11 = arith.constant 62 : i32
    %dma_start3A = arith.constant 0 : i32
    %dma_start3A_12 = arith.constant 0 : i32
    %dma_start3A_13 = tpu.memref_slice %arg2[%dma_start3A, %dma_start3A_12] : memref<10000x128xf32, #tpu.memory_space<hbm>> -> memref<10000x128xf32, #tpu.memory_space<hbm>>
    tpu.enqueue_indirect_dma source(%dma_start3A_13 : memref<10000x128xf32, #tpu.memory_space<hbm>>) target(%arg11 : memref<80x128xf32, #tpu.memory_space<vmem>>) offsets(%arg7 : memref<80xi32, #tpu.memory_space<vmem>>) semaphore(%arg13 : memref<!tpu.dma_semaphore, #tpu.memory_space<semaphore_mem>>)
    %min3A = arith.constant 125 : i32
    %min3A_14 = arith.constant 124 : i32
    %min3A_15 = arith.minsi %min3A, %min3A_14 : i32
    %mul3A_16 = arith.constant 80 : i32
    %mul3A_17 = arith.muli %min3A_15, %mul3A_16 : i32
    %add3A_18 = arith.addi %mul3A_2, %mul3A_17 : i32
    "tpu.region"() ({
      %run_scoped3A = tpu.sem_alloc : memref<!tpu.dma_semaphore, #tpu.memory_space<semaphore_mem>>
      %dma_start3A_32 = tpu.memref_slice %arg3[%add3A_18] : memref<320000xi32, #tpu.memory_space<hbm>> -> memref<80xi32, #tpu.memory_space<hbm>>
      %dma_start3A_33 = tpu.memref_slice %arg3[%add3A_18] : memref<320000xi32, #tpu.memory_space<hbm>> -> memref<80xi32, #tpu.memory_space<hbm>>
      tpu.enqueue_dma source(%dma_start3A_33 : memref<80xi32, #tpu.memory_space<hbm>>) target(%arg9 : memref<80xi32, #tpu.memory_space<vmem>>) target_semaphore(%run_scoped3A : memref<!tpu.dma_semaphore, #tpu.memory_space<semaphore_mem>>)
      %dma_wait3A_34 = tpu.memref_slice %arg3[%add3A_18] : memref<320000xi32, #tpu.memory_space<hbm>> -> memref<80xi32, #tpu.memory_space<hbm>>
      %dma_wait3A_35 = tpu.memref_slice %arg3[%add3A_18] : memref<320000xi32, #tpu.memory_space<hbm>> -> memref<80xi32, #tpu.memory_space<hbm>>
      tpu.wait_dma2 semaphore(%run_scoped3A : memref<!tpu.dma_semaphore, #tpu.memory_space<semaphore_mem>>) src(%dma_wait3A_35 : memref<80xi32, #tpu.memory_space<hbm>>) dst(%arg9 : memref<80xi32, #tpu.memory_space<vmem>>)
      tpu.yield
    }) : () -> ()
    %dma_wait3A = arith.constant 0 : i32
    %dma_wait3A_19 = arith.constant 0 : i32
    %dma_wait3A_20 = tpu.memref_slice %arg2[%dma_wait3A, %dma_wait3A_19] : memref<10000x128xf32, #tpu.memory_space<hbm>> -> memref<10000x128xf32, #tpu.memory_space<hbm>>
    tpu.wait_indirect_dma semaphore(%arg13 : memref<!tpu.dma_semaphore, #tpu.memory_space<semaphore_mem>>) src(%dma_wait3A_20 : memref<10000x128xf32, #tpu.memory_space<hbm>>) dst(%arg11 : memref<80x128xf32, #tpu.memory_space<vmem>>)
    %dma_start3A_21 = arith.constant 0 : i32
    %dma_start3A_22 = arith.constant 0 : i32
    %dma_start3A_23 = tpu.memref_slice %arg12[%dma_start3A_21, %dma_start3A_22] : memref<10240x128xf32, #tpu.memory_space<vmem_shared>> -> memref<10240x128xf32, #tpu.memory_space<vmem_shared>>
    tpu.enqueue_indirect_dma source(%arg11 : memref<80x128xf32, #tpu.memory_space<vmem>>) target(%dma_start3A_23 : memref<10240x128xf32, #tpu.memory_space<vmem_shared>>) offsets(%arg8 : memref<80xi32, #tpu.memory_space<vmem>>) semaphore(%arg14 : memref<!tpu.dma_semaphore, #tpu.memory_space<semaphore_mem>>) {add = true}
    "tpu.region"() ({
      %run_scoped3A = tpu.sem_alloc : memref<!tpu.dma_semaphore, #tpu.memory_space<semaphore_mem>>
      %dma_start3A_32 = tpu.memref_slice %arg4[%add3A_18] : memref<320000xi32, #tpu.memory_space<hbm>> -> memref<80xi32, #tpu.memory_space<hbm>>
      %dma_start3A_33 = tpu.memref_slice %arg4[%add3A_18] : memref<320000xi32, #tpu.memory_space<hbm>> -> memref<80xi32, #tpu.memory_space<hbm>>
      tpu.enqueue_dma source(%dma_start3A_33 : memref<80xi32, #tpu.memory_space<hbm>>) target(%arg10 : memref<80xi32, #tpu.memory_space<vmem>>) target_semaphore(%run_scoped3A : memref<!tpu.dma_semaphore, #tpu.memory_space<semaphore_mem>>)
      %dma_wait3A_34 = tpu.memref_slice %arg4[%add3A_18] : memref<320000xi32, #tpu.memory_space<hbm>> -> memref<80xi32, #tpu.memory_space<hbm>>
      %dma_wait3A_35 = tpu.memref_slice %arg4[%add3A_18] : memref<320000xi32, #tpu.memory_space<hbm>> -> memref<80xi32, #tpu.memory_space<hbm>>
      tpu.wait_dma2 semaphore(%run_scoped3A : memref<!tpu.dma_semaphore, #tpu.memory_space<semaphore_mem>>) src(%dma_wait3A_35 : memref<80xi32, #tpu.memory_space<hbm>>) dst(%arg10 : memref<80xi32, #tpu.memory_space<vmem>>)
      tpu.yield
    }) : () -> ()
    %dma_wait3A_24 = arith.constant 0 : i32
    %dma_wait3A_25 = arith.constant 0 : i32
    %dma_wait3A_26 = tpu.memref_slice %arg12[%dma_wait3A_24, %dma_wait3A_25] : memref<10240x128xf32, #tpu.memory_space<vmem_shared>> -> memref<10240x128xf32, #tpu.memory_space<vmem_shared>>
    tpu.wait_indirect_dma semaphore(%arg14 : memref<!tpu.dma_semaphore, #tpu.memory_space<semaphore_mem>>) src(%arg11 : memref<80x128xf32, #tpu.memory_space<vmem>>) dst(%dma_wait3A_26 : memref<10240x128xf32, #tpu.memory_space<vmem_shared>>)
    %barrier3A_27 = arith.constant 0 : index
    tpu.barrier barrier_id(%barrier3A_27)
    %mul3A_28 = arith.constant 640 : i32
    %mul3A_29 = arith.muli %arg1, %mul3A_28 : i32
    %mul3A_30 = arith.constant 640 : i32
    %mul3A_31 = arith.muli %arg1, %mul3A_30 : i32
    "tpu.region"() ({
      %run_scoped3A = tpu.sem_alloc : memref<!tpu.dma_semaphore, #tpu.memory_space<semaphore_mem>>
      %dma_start3A_32 = arith.constant 0 : i32
      %dma_start3A_33 = tpu.memref_slice %arg6[%arg0, %mul3A_31, %dma_start3A_32] : memref<2x10240x128xf32, #tpu.memory_space<hbm>> -> memref<1x640x128xf32, #tpu.memory_space<hbm>>
      %dma_start3A_34 = tpu.memref_squeeze %dma_start3A_33 : memref<1x640x128xf32, #tpu.memory_space<hbm>> -> memref<640x128xf32, #tpu.memory_space<hbm>>
      %dma_start3A_35 = arith.constant 0 : i32
      %dma_start3A_36 = tpu.memref_slice %arg12[%mul3A_29, %dma_start3A_35] : memref<10240x128xf32, #tpu.memory_space<vmem_shared>> -> memref<640x128xf32, #tpu.memory_space<vmem_shared>>
      tpu.enqueue_dma source(%dma_start3A_36 : memref<640x128xf32, #tpu.memory_space<vmem_shared>>) target(%dma_start3A_34 : memref<640x128xf32, #tpu.memory_space<hbm>>) target_semaphore(%run_scoped3A : memref<!tpu.dma_semaphore, #tpu.memory_space<semaphore_mem>>)
      %dma_wait3A_37 = arith.constant 0 : i32
      %dma_wait3A_38 = tpu.memref_slice %arg6[%arg0, %mul3A_31, %dma_wait3A_37] : memref<2x10240x128xf32, #tpu.memory_space<hbm>> -> memref<1x640x128xf32, #tpu.memory_space<hbm>>
      %dma_wait3A_39 = tpu.memref_squeeze %dma_wait3A_38 : memref<1x640x128xf32, #tpu.memory_space<hbm>> -> memref<640x128xf32, #tpu.memory_space<hbm>>
      %dma_wait3A_40 = arith.constant 0 : i32
      %dma_wait3A_41 = tpu.memref_slice %arg12[%mul3A_29, %dma_wait3A_40] : memref<10240x128xf32, #tpu.memory_space<vmem_shared>> -> memref<640x128xf32, #tpu.memory_space<vmem_shared>>
      tpu.wait_dma2 semaphore(%run_scoped3A : memref<!tpu.dma_semaphore, #tpu.memory_space<semaphore_mem>>) src(%dma_wait3A_41 : memref<640x128xf32, #tpu.memory_space<vmem_shared>>) dst(%dma_wait3A_39 : memref<640x128xf32, #tpu.memory_space<hbm>>)
      tpu.yield
    }) : () -> ()
    return
  }
}

#map = affine_map<(d0, d1) -> (0, 0)>
#map1 = affine_map<(d0, d1) -> (0)>
#map2 = affine_map<(d0, d1) -> (0, 0, 0)>
module attributes {stable_mosaic.version = 14 : i64} {
  func.func @_sc_body(%arg0: i32, %arg1: i32, %arg2: memref<10000x128xf32, #tpu.memory_space<hbm>>, %arg3: memref<320000xi32, #tpu.memory_space<hbm>>, %arg4: memref<320000xi32, #tpu.memory_space<hbm>>, %arg5: memref<640x128xf32, #tpu.memory_space<hbm>>, %arg6: memref<2x10240x128xf32, #tpu.memory_space<hbm>>, %arg7: memref<80xi32, #tpu.memory_space<vmem>>, %arg8: memref<80xi32, #tpu.memory_space<vmem>>, %arg9: memref<80xi32, #tpu.memory_space<vmem>>, %arg10: memref<80xi32, #tpu.memory_space<vmem>>, %arg11: memref<80x128xf32, #tpu.memory_space<vmem>>, %arg12: memref<10240x128xf32, #tpu.memory_space<vmem_shared>>, %arg13: memref<!tpu.dma_semaphore, #tpu.memory_space<semaphore_mem>>, %arg14: memref<!tpu.dma_semaphore, #tpu.memory_space<semaphore_mem>>) attributes {dimension_semantics = [#tpu.dimension_semantics<core_parallel>, #tpu.dimension_semantics<subcore_parallel>], iteration_bounds = array<i64: 2, 16>, scalar_prefetch = 0 : i64, scratch_operands = 8 : i64, tpu.core_type = #tpu.core_type<sc_vector_subcore>, window_params = [{transform_indices = #map}, {transform_indices = #map1}, {transform_indices = #map1}, {transform_indices = #map}, {transform_indices = #map2}]} {
    %mul3A = arith.constant 2 : i32
    %mul3A_0 = arith.muli %arg1, %mul3A : i32
    %add3A = arith.addi %mul3A_0, %arg0 : i32
    %mul3A_1 = arith.constant 10000 : i32
    %mul3A_2 = arith.muli %add3A, %mul3A_1 : i32
    %mul3A_3 = arith.constant 640 : i32
    %mul3A_4 = arith.muli %arg1, %mul3A_3 : i32
    "tpu.region"() ({
      %run_scoped3A = tpu.sem_alloc : memref<!tpu.dma_semaphore, #tpu.memory_space<semaphore_mem>>
      %dma_start3A_32 = arith.constant 0 : i32
      %dma_start3A_33 = tpu.memref_slice %arg12[%mul3A_4, %dma_start3A_32] : memref<10240x128xf32, #tpu.memory_space<vmem_shared>> -> memref<640x128xf32, #tpu.memory_space<vmem_shared>>
      tpu.enqueue_dma source(%arg5 : memref<640x128xf32, #tpu.memory_space<hbm>>) target(%dma_start3A_33 : memref<640x128xf32, #tpu.memory_space<vmem_shared>>) target_semaphore(%run_scoped3A : memref<!tpu.dma_semaphore, #tpu.memory_space<semaphore_mem>>)
      %dma_wait3A_34 = arith.constant 0 : i32
      %dma_wait3A_35 = tpu.memref_slice %arg12[%mul3A_4, %dma_wait3A_34] : memref<10240x128xf32, #tpu.memory_space<vmem_shared>> -> memref<640x128xf32, #tpu.memory_space<vmem_shared>>
      tpu.wait_dma2 semaphore(%run_scoped3A : memref<!tpu.dma_semaphore, #tpu.memory_space<semaphore_mem>>) src(%arg5 : memref<640x128xf32, #tpu.memory_space<hbm>>) dst(%dma_wait3A_35 : memref<640x128xf32, #tpu.memory_space<vmem_shared>>)
      tpu.yield
    }) : () -> ()
    %barrier3A = arith.constant 0 : index
    tpu.barrier barrier_id(%barrier3A)
    %add3A_5 = arith.constant 0 : i32
    %add3A_6 = arith.addi %mul3A_2, %add3A_5 : i32
    "tpu.region"() ({
      %run_scoped3A = tpu.sem_alloc : memref<!tpu.dma_semaphore, #tpu.memory_space<semaphore_mem>>
      %dma_start3A_32 = tpu.memref_slice %arg3[%add3A_6] : memref<320000xi32, #tpu.memory_space<hbm>> -> memref<80xi32, #tpu.memory_space<hbm>>
      %dma_start3A_33 = tpu.memref_slice %arg3[%add3A_6] : memref<320000xi32, #tpu.memory_space<hbm>> -> memref<80xi32, #tpu.memory_space<hbm>>
      tpu.enqueue_dma source(%dma_start3A_33 : memref<80xi32, #tpu.memory_space<hbm>>) target(%arg7 : memref<80xi32, #tpu.memory_space<vmem>>) target_semaphore(%run_scoped3A : memref<!tpu.dma_semaphore, #tpu.memory_space<semaphore_mem>>)
      %dma_wait3A_34 = tpu.memref_slice %arg3[%add3A_6] : memref<320000xi32, #tpu.memory_space<hbm>> -> memref<80xi32, #tpu.memory_space<hbm>>
      %dma_wait3A_35 = tpu.memref_slice %arg3[%add3A_6] : memref<320000xi32, #tpu.memory_space<hbm>> -> memref<80xi32, #tpu.memory_space<hbm>>
      tpu.wait_dma2 semaphore(%run_scoped3A : memref<!tpu.dma_semaphore, #tpu.memory_space<semaphore_mem>>) src(%dma_wait3A_35 : memref<80xi32, #tpu.memory_space<hbm>>) dst(%arg7 : memref<80xi32, #tpu.memory_space<vmem>>)
      tpu.yield
    }) : () -> ()
    "tpu.region"() ({
      %run_scoped3A = tpu.sem_alloc : memref<!tpu.dma_semaphore, #tpu.memory_space<semaphore_mem>>
      %dma_start3A_32 = tpu.memref_slice %arg4[%add3A_6] : memref<320000xi32, #tpu.memory_space<hbm>> -> memref<80xi32, #tpu.memory_space<hbm>>
      %dma_start3A_33 = tpu.memref_slice %arg4[%add3A_6] : memref<320000xi32, #tpu.memory_space<hbm>> -> memref<80xi32, #tpu.memory_space<hbm>>
      tpu.enqueue_dma source(%dma_start3A_33 : memref<80xi32, #tpu.memory_space<hbm>>) target(%arg8 : memref<80xi32, #tpu.memory_space<vmem>>) target_semaphore(%run_scoped3A : memref<!tpu.dma_semaphore, #tpu.memory_space<semaphore_mem>>)
      %dma_wait3A_34 = tpu.memref_slice %arg4[%add3A_6] : memref<320000xi32, #tpu.memory_space<hbm>> -> memref<80xi32, #tpu.memory_space<hbm>>
      %dma_wait3A_35 = tpu.memref_slice %arg4[%add3A_6] : memref<320000xi32, #tpu.memory_space<hbm>> -> memref<80xi32, #tpu.memory_space<hbm>>
      tpu.wait_dma2 semaphore(%run_scoped3A : memref<!tpu.dma_semaphore, #tpu.memory_space<semaphore_mem>>) src(%dma_wait3A_35 : memref<80xi32, #tpu.memory_space<hbm>>) dst(%arg8 : memref<80xi32, #tpu.memory_space<vmem>>)
      tpu.yield
    }) : () -> ()
    %scan3A = arith.constant 0 : i32
    %scan3A_7 = arith.constant 0 : i32
    %scan3A_8 = arith.constant 62 : i32
    %scan3A_9 = arith.addi %scan3A_7, %scan3A_8 : i32
    %scan3A_10 = arith.constant 1 : i32
    scf.for %scan3A_32 = %scan3A_7 to %scan3A_9 step %scan3A_10  : i32 {
      %mul3A_33 = arith.constant 2 : i32
      %mul3A_34 = arith.muli %mul3A_33, %scan3A_32 : i32
      %dma_start3A_35 = arith.constant 0 : i32
      %dma_start3A_36 = arith.constant 0 : i32
      %dma_start3A_37 = tpu.memref_slice %arg2[%dma_start3A_35, %dma_start3A_36] : memref<10000x128xf32, #tpu.memory_space<hbm>> -> memref<10000x128xf32, #tpu.memory_space<hbm>>
      tpu.enqueue_indirect_dma source(%dma_start3A_37 : memref<10000x128xf32, #tpu.memory_space<hbm>>) target(%arg11 : memref<80x128xf32, #tpu.memory_space<vmem>>) offsets(%arg7 : memref<80xi32, #tpu.memory_space<vmem>>) semaphore(%arg13 : memref<!tpu.dma_semaphore, #tpu.memory_space<semaphore_mem>>)
      %add3A_38 = arith.constant 1 : i32
      %add3A_39 = arith.addi %mul3A_34, %add3A_38 : i32
      %min3A_40 = arith.constant 124 : i32
      %min3A_41 = arith.minsi %add3A_39, %min3A_40 : i32
      %mul3A_42 = arith.constant 80 : i32
      %mul3A_43 = arith.muli %min3A_41, %mul3A_42 : i32
      %add3A_44 = arith.addi %mul3A_2, %mul3A_43 : i32
      "tpu.region"() ({
        %run_scoped3A = tpu.sem_alloc : memref<!tpu.dma_semaphore, #tpu.memory_space<semaphore_mem>>
        %dma_start3A_77 = tpu.memref_slice %arg3[%add3A_44] : memref<320000xi32, #tpu.memory_space<hbm>> -> memref<80xi32, #tpu.memory_space<hbm>>
        %dma_start3A_78 = tpu.memref_slice %arg3[%add3A_44] : memref<320000xi32, #tpu.memory_space<hbm>> -> memref<80xi32, #tpu.memory_space<hbm>>
        tpu.enqueue_dma source(%dma_start3A_78 : memref<80xi32, #tpu.memory_space<hbm>>) target(%arg9 : memref<80xi32, #tpu.memory_space<vmem>>) target_semaphore(%run_scoped3A : memref<!tpu.dma_semaphore, #tpu.memory_space<semaphore_mem>>)
        %dma_wait3A_79 = tpu.memref_slice %arg3[%add3A_44] : memref<320000xi32, #tpu.memory_space<hbm>> -> memref<80xi32, #tpu.memory_space<hbm>>
        %dma_wait3A_80 = tpu.memref_slice %arg3[%add3A_44] : memref<320000xi32, #tpu.memory_space<hbm>> -> memref<80xi32, #tpu.memory_space<hbm>>
        tpu.wait_dma2 semaphore(%run_scoped3A : memref<!tpu.dma_semaphore, #tpu.memory_space<semaphore_mem>>) src(%dma_wait3A_80 : memref<80xi32, #tpu.memory_space<hbm>>) dst(%arg9 : memref<80xi32, #tpu.memory_space<vmem>>)
        tpu.yield
      }) : () -> ()
      %dma_wait3A_45 = arith.constant 0 : i32
      %dma_wait3A_46 = arith.constant 0 : i32
      %dma_wait3A_47 = tpu.memref_slice %arg2[%dma_wait3A_45, %dma_wait3A_46] : memref<10000x128xf32, #tpu.memory_space<hbm>> -> memref<10000x128xf32, #tpu.memory_space<hbm>>
      tpu.wait_indirect_dma semaphore(%arg13 : memref<!tpu.dma_semaphore, #tpu.memory_space<semaphore_mem>>) src(%dma_wait3A_47 : memref<10000x128xf32, #tpu.memory_space<hbm>>) dst(%arg11 : memref<80x128xf32, #tpu.memory_space<vmem>>)
      %dma_start3A_48 = arith.constant 0 : i32
      %dma_start3A_49 = arith.constant 0 : i32
      %dma_start3A_50 = tpu.memref_slice %arg12[%dma_start3A_48, %dma_start3A_49] : memref<10240x128xf32, #tpu.memory_space<vmem_shared>> -> memref<10240x128xf32, #tpu.memory_space<vmem_shared>>
      tpu.enqueue_indirect_dma source(%arg11 : memref<80x128xf32, #tpu.memory_space<vmem>>) target(%dma_start3A_50 : memref<10240x128xf32, #tpu.memory_space<vmem_shared>>) offsets(%arg8 : memref<80xi32, #tpu.memory_space<vmem>>) semaphore(%arg14 : memref<!tpu.dma_semaphore, #tpu.memory_space<semaphore_mem>>) {add = true}
      "tpu.region"() ({
        %run_scoped3A = tpu.sem_alloc : memref<!tpu.dma_semaphore, #tpu.memory_space<semaphore_mem>>
        %dma_start3A_77 = tpu.memref_slice %arg4[%add3A_44] : memref<320000xi32, #tpu.memory_space<hbm>> -> memref<80xi32, #tpu.memory_space<hbm>>
        %dma_start3A_78 = tpu.memref_slice %arg4[%add3A_44] : memref<320000xi32, #tpu.memory_space<hbm>> -> memref<80xi32, #tpu.memory_space<hbm>>
        tpu.enqueue_dma source(%dma_start3A_78 : memref<80xi32, #tpu.memory_space<hbm>>) target(%arg10 : memref<80xi32, #tpu.memory_space<vmem>>) target_semaphore(%run_scoped3A : memref<!tpu.dma_semaphore, #tpu.memory_space<semaphore_mem>>)
        %dma_wait3A_79 = tpu.memref_slice %arg4[%add3A_44] : memref<320000xi32, #tpu.memory_space<hbm>> -> memref<80xi32, #tpu.memory_space<hbm>>
        %dma_wait3A_80 = tpu.memref_slice %arg4[%add3A_44] : memref<320000xi32, #tpu.memory_space<hbm>> -> memref<80xi32, #tpu.memory_space<hbm>>
        tpu.wait_dma2 semaphore(%run_scoped3A : memref<!tpu.dma_semaphore, #tpu.memory_space<semaphore_mem>>) src(%dma_wait3A_80 : memref<80xi32, #tpu.memory_space<hbm>>) dst(%arg10 : memref<80xi32, #tpu.memory_space<vmem>>)
        tpu.yield
      }) : () -> ()
      %dma_wait3A_51 = arith.constant 0 : i32
      %dma_wait3A_52 = arith.constant 0 : i32
      %dma_wait3A_53 = tpu.memref_slice %arg12[%dma_wait3A_51, %dma_wait3A_52] : memref<10240x128xf32, #tpu.memory_space<vmem_shared>> -> memref<10240x128xf32, #tpu.memory_space<vmem_shared>>
      tpu.wait_indirect_dma semaphore(%arg14 : memref<!tpu.dma_semaphore, #tpu.memory_space<semaphore_mem>>) src(%arg11 : memref<80x128xf32, #tpu.memory_space<vmem>>) dst(%dma_wait3A_53 : memref<10240x128xf32, #tpu.memory_space<vmem_shared>>)
      %mul3A_54 = arith.constant 2 : i32
      %mul3A_55 = arith.muli %mul3A_54, %scan3A_32 : i32
      %add3A_56 = arith.constant 1 : i32
      %add3A_57 = arith.addi %mul3A_55, %add3A_56 : i32
      %dma_start3A_58 = arith.constant 0 : i32
      %dma_start3A_59 = arith.constant 0 : i32
      %dma_start3A_60 = tpu.memref_slice %arg2[%dma_start3A_58, %dma_start3A_59] : memref<10000x128xf32, #tpu.memory_space<hbm>> -> memref<10000x128xf32, #tpu.memory_space<hbm>>
      tpu.enqueue_indirect_dma source(%dma_start3A_60 : memref<10000x128xf32, #tpu.memory_space<hbm>>) target(%arg11 : memref<80x128xf32, #tpu.memory_space<vmem>>) offsets(%arg9 : memref<80xi32, #tpu.memory_space<vmem>>) semaphore(%arg13 : memref<!tpu.dma_semaphore, #tpu.memory_space<semaphore_mem>>)
      %add3A_61 = arith.constant 1 : i32
      %add3A_62 = arith.addi %add3A_57, %add3A_61 : i32
      %min3A_63 = arith.constant 124 : i32
      %min3A_64 = arith.minsi %add3A_62, %min3A_63 : i32
      %mul3A_65 = arith.constant 80 : i32
      %mul3A_66 = arith.muli %min3A_64, %mul3A_65 : i32
      %add3A_67 = arith.addi %mul3A_2, %mul3A_66 : i32
      "tpu.region"() ({
        %run_scoped3A = tpu.sem_alloc : memref<!tpu.dma_semaphore, #tpu.memory_space<semaphore_mem>>
        %dma_start3A_77 = tpu.memref_slice %arg3[%add3A_67] : memref<320000xi32, #tpu.memory_space<hbm>> -> memref<80xi32, #tpu.memory_space<hbm>>
        %dma_start3A_78 = tpu.memref_slice %arg3[%add3A_67] : memref<320000xi32, #tpu.memory_space<hbm>> -> memref<80xi32, #tpu.memory_space<hbm>>
        tpu.enqueue_dma source(%dma_start3A_78 : memref<80xi32, #tpu.memory_space<hbm>>) target(%arg7 : memref<80xi32, #tpu.memory_space<vmem>>) target_semaphore(%run_scoped3A : memref<!tpu.dma_semaphore, #tpu.memory_space<semaphore_mem>>)
        %dma_wait3A_79 = tpu.memref_slice %arg3[%add3A_67] : memref<320000xi32, #tpu.memory_space<hbm>> -> memref<80xi32, #tpu.memory_space<hbm>>
        %dma_wait3A_80 = tpu.memref_slice %arg3[%add3A_67] : memref<320000xi32, #tpu.memory_space<hbm>> -> memref<80xi32, #tpu.memory_space<hbm>>
        tpu.wait_dma2 semaphore(%run_scoped3A : memref<!tpu.dma_semaphore, #tpu.memory_space<semaphore_mem>>) src(%dma_wait3A_80 : memref<80xi32, #tpu.memory_space<hbm>>) dst(%arg7 : memref<80xi32, #tpu.memory_space<vmem>>)
        tpu.yield
      }) : () -> ()
      %dma_wait3A_68 = arith.constant 0 : i32
      %dma_wait3A_69 = arith.constant 0 : i32
      %dma_wait3A_70 = tpu.memref_slice %arg2[%dma_wait3A_68, %dma_wait3A_69] : memref<10000x128xf32, #tpu.memory_space<hbm>> -> memref<10000x128xf32, #tpu.memory_space<hbm>>
      tpu.wait_indirect_dma semaphore(%arg13 : memref<!tpu.dma_semaphore, #tpu.memory_space<semaphore_mem>>) src(%dma_wait3A_70 : memref<10000x128xf32, #tpu.memory_space<hbm>>) dst(%arg11 : memref<80x128xf32, #tpu.memory_space<vmem>>)
      %dma_start3A_71 = arith.constant 0 : i32
      %dma_start3A_72 = arith.constant 0 : i32
      %dma_start3A_73 = tpu.memref_slice %arg12[%dma_start3A_71, %dma_start3A_72] : memref<10240x128xf32, #tpu.memory_space<vmem_shared>> -> memref<10240x128xf32, #tpu.memory_space<vmem_shared>>
      tpu.enqueue_indirect_dma source(%arg11 : memref<80x128xf32, #tpu.memory_space<vmem>>) target(%dma_start3A_73 : memref<10240x128xf32, #tpu.memory_space<vmem_shared>>) offsets(%arg10 : memref<80xi32, #tpu.memory_space<vmem>>) semaphore(%arg14 : memref<!tpu.dma_semaphore, #tpu.memory_space<semaphore_mem>>) {add = true}
      "tpu.region"() ({
        %run_scoped3A = tpu.sem_alloc : memref<!tpu.dma_semaphore, #tpu.memory_space<semaphore_mem>>
        %dma_start3A_77 = tpu.memref_slice %arg4[%add3A_67] : memref<320000xi32, #tpu.memory_space<hbm>> -> memref<80xi32, #tpu.memory_space<hbm>>
        %dma_start3A_78 = tpu.memref_slice %arg4[%add3A_67] : memref<320000xi32, #tpu.memory_space<hbm>> -> memref<80xi32, #tpu.memory_space<hbm>>
        tpu.enqueue_dma source(%dma_start3A_78 : memref<80xi32, #tpu.memory_space<hbm>>) target(%arg8 : memref<80xi32, #tpu.memory_space<vmem>>) target_semaphore(%run_scoped3A : memref<!tpu.dma_semaphore, #tpu.memory_space<semaphore_mem>>)
        %dma_wait3A_79 = tpu.memref_slice %arg4[%add3A_67] : memref<320000xi32, #tpu.memory_space<hbm>> -> memref<80xi32, #tpu.memory_space<hbm>>
        %dma_wait3A_80 = tpu.memref_slice %arg4[%add3A_67] : memref<320000xi32, #tpu.memory_space<hbm>> -> memref<80xi32, #tpu.memory_space<hbm>>
        tpu.wait_dma2 semaphore(%run_scoped3A : memref<!tpu.dma_semaphore, #tpu.memory_space<semaphore_mem>>) src(%dma_wait3A_80 : memref<80xi32, #tpu.memory_space<hbm>>) dst(%arg8 : memref<80xi32, #tpu.memory_space<vmem>>)
        tpu.yield
      }) : () -> ()
      %dma_wait3A_74 = arith.constant 0 : i32
      %dma_wait3A_75 = arith.constant 0 : i32
      %dma_wait3A_76 = tpu.memref_slice %arg12[%dma_wait3A_74, %dma_wait3A_75] : memref<10240x128xf32, #tpu.memory_space<vmem_shared>> -> memref<10240x128xf32, #tpu.memory_space<vmem_shared>>
      tpu.wait_indirect_dma semaphore(%arg14 : memref<!tpu.dma_semaphore, #tpu.memory_space<semaphore_mem>>) src(%arg11 : memref<80x128xf32, #tpu.memory_space<vmem>>) dst(%dma_wait3A_76 : memref<10240x128xf32, #tpu.memory_space<vmem_shared>>)
    }
    %scan3A_11 = arith.constant 62 : i32
    %dma_start3A = arith.constant 0 : i32
    %dma_start3A_12 = arith.constant 0 : i32
    %dma_start3A_13 = tpu.memref_slice %arg2[%dma_start3A, %dma_start3A_12] : memref<10000x128xf32, #tpu.memory_space<hbm>> -> memref<10000x128xf32, #tpu.memory_space<hbm>>
    tpu.enqueue_indirect_dma source(%dma_start3A_13 : memref<10000x128xf32, #tpu.memory_space<hbm>>) target(%arg11 : memref<80x128xf32, #tpu.memory_space<vmem>>) offsets(%arg7 : memref<80xi32, #tpu.memory_space<vmem>>) semaphore(%arg13 : memref<!tpu.dma_semaphore, #tpu.memory_space<semaphore_mem>>)
    %min3A = arith.constant 125 : i32
    %min3A_14 = arith.constant 124 : i32
    %min3A_15 = arith.minsi %min3A, %min3A_14 : i32
    %mul3A_16 = arith.constant 80 : i32
    %mul3A_17 = arith.muli %min3A_15, %mul3A_16 : i32
    %add3A_18 = arith.addi %mul3A_2, %mul3A_17 : i32
    "tpu.region"() ({
      %run_scoped3A = tpu.sem_alloc : memref<!tpu.dma_semaphore, #tpu.memory_space<semaphore_mem>>
      %dma_start3A_32 = tpu.memref_slice %arg3[%add3A_18] : memref<320000xi32, #tpu.memory_space<hbm>> -> memref<80xi32, #tpu.memory_space<hbm>>
      %dma_start3A_33 = tpu.memref_slice %arg3[%add3A_18] : memref<320000xi32, #tpu.memory_space<hbm>> -> memref<80xi32, #tpu.memory_space<hbm>>
      tpu.enqueue_dma source(%dma_start3A_33 : memref<80xi32, #tpu.memory_space<hbm>>) target(%arg9 : memref<80xi32, #tpu.memory_space<vmem>>) target_semaphore(%run_scoped3A : memref<!tpu.dma_semaphore, #tpu.memory_space<semaphore_mem>>)
      %dma_wait3A_34 = tpu.memref_slice %arg3[%add3A_18] : memref<320000xi32, #tpu.memory_space<hbm>> -> memref<80xi32, #tpu.memory_space<hbm>>
      %dma_wait3A_35 = tpu.memref_slice %arg3[%add3A_18] : memref<320000xi32, #tpu.memory_space<hbm>> -> memref<80xi32, #tpu.memory_space<hbm>>
      tpu.wait_dma2 semaphore(%run_scoped3A : memref<!tpu.dma_semaphore, #tpu.memory_space<semaphore_mem>>) src(%dma_wait3A_35 : memref<80xi32, #tpu.memory_space<hbm>>) dst(%arg9 : memref<80xi32, #tpu.memory_space<vmem>>)
      tpu.yield
    }) : () -> ()
    %dma_wait3A = arith.constant 0 : i32
    %dma_wait3A_19 = arith.constant 0 : i32
    %dma_wait3A_20 = tpu.memref_slice %arg2[%dma_wait3A, %dma_wait3A_19] : memref<10000x128xf32, #tpu.memory_space<hbm>> -> memref<10000x128xf32, #tpu.memory_space<hbm>>
    tpu.wait_indirect_dma semaphore(%arg13 : memref<!tpu.dma_semaphore, #tpu.memory_space<semaphore_mem>>) src(%dma_wait3A_20 : memref<10000x128xf32, #tpu.memory_space<hbm>>) dst(%arg11 : memref<80x128xf32, #tpu.memory_space<vmem>>)
    %dma_start3A_21 = arith.constant 0 : i32
    %dma_start3A_22 = arith.constant 0 : i32
    %dma_start3A_23 = tpu.memref_slice %arg12[%dma_start3A_21, %dma_start3A_22] : memref<10240x128xf32, #tpu.memory_space<vmem_shared>> -> memref<10240x128xf32, #tpu.memory_space<vmem_shared>>
    tpu.enqueue_indirect_dma source(%arg11 : memref<80x128xf32, #tpu.memory_space<vmem>>) target(%dma_start3A_23 : memref<10240x128xf32, #tpu.memory_space<vmem_shared>>) offsets(%arg8 : memref<80xi32, #tpu.memory_space<vmem>>) semaphore(%arg14 : memref<!tpu.dma_semaphore, #tpu.memory_space<semaphore_mem>>) {add = true}
    "tpu.region"() ({
      %run_scoped3A = tpu.sem_alloc : memref<!tpu.dma_semaphore, #tpu.memory_space<semaphore_mem>>
      %dma_start3A_32 = tpu.memref_slice %arg4[%add3A_18] : memref<320000xi32, #tpu.memory_space<hbm>> -> memref<80xi32, #tpu.memory_space<hbm>>
      %dma_start3A_33 = tpu.memref_slice %arg4[%add3A_18] : memref<320000xi32, #tpu.memory_space<hbm>> -> memref<80xi32, #tpu.memory_space<hbm>>
      tpu.enqueue_dma source(%dma_start3A_33 : memref<80xi32, #tpu.memory_space<hbm>>) target(%arg10 : memref<80xi32, #tpu.memory_space<vmem>>) target_semaphore(%run_scoped3A : memref<!tpu.dma_semaphore, #tpu.memory_space<semaphore_mem>>)
      %dma_wait3A_34 = tpu.memref_slice %arg4[%add3A_18] : memref<320000xi32, #tpu.memory_space<hbm>> -> memref<80xi32, #tpu.memory_space<hbm>>
      %dma_wait3A_35 = tpu.memref_slice %arg4[%add3A_18] : memref<320000xi32, #tpu.memory_space<hbm>> -> memref<80xi32, #tpu.memory_space<hbm>>
      tpu.wait_dma2 semaphore(%run_scoped3A : memref<!tpu.dma_semaphore, #tpu.memory_space<semaphore_mem>>) src(%dma_wait3A_35 : memref<80xi32, #tpu.memory_space<hbm>>) dst(%arg10 : memref<80xi32, #tpu.memory_space<vmem>>)
      tpu.yield
    }) : () -> ()
    %dma_wait3A_24 = arith.constant 0 : i32
    %dma_wait3A_25 = arith.constant 0 : i32
    %dma_wait3A_26 = tpu.memref_slice %arg12[%dma_wait3A_24, %dma_wait3A_25] : memref<10240x128xf32, #tpu.memory_space<vmem_shared>> -> memref<10240x128xf32, #tpu.memory_space<vmem_shared>>
    tpu.wait_indirect_dma semaphore(%arg14 : memref<!tpu.dma_semaphore, #tpu.memory_space<semaphore_mem>>) src(%arg11 : memref<80x128xf32, #tpu.memory_space<vmem>>) dst(%dma_wait3A_26 : memref<10240x128xf32, #tpu.memory_space<vmem_shared>>)
    %barrier3A_27 = arith.constant 0 : index
    tpu.barrier barrier_id(%barrier3A_27)
    %mul3A_28 = arith.constant 640 : i32
    %mul3A_29 = arith.muli %arg1, %mul3A_28 : i32
    %mul3A_30 = arith.constant 640 : i32
    %mul3A_31 = arith.muli %arg1, %mul3A_30 : i32
    "tpu.region"() ({
      %run_scoped3A = tpu.sem_alloc : memref<!tpu.dma_semaphore, #tpu.memory_space<semaphore_mem>>
      %dma_start3A_32 = arith.constant 0 : i32
      %dma_start3A_33 = tpu.memref_slice %arg6[%arg0, %mul3A_31, %dma_start3A_32] : memref<2x10240x128xf32, #tpu.memory_space<hbm>> -> memref<1x640x128xf32, #tpu.memory_space<hbm>>
      %dma_start3A_34 = tpu.memref_squeeze %dma_start3A_33 : memref<1x640x128xf32, #tpu.memory_space<hbm>> -> memref<640x128xf32, #tpu.memory_space<hbm>>
      %dma_start3A_35 = arith.constant 0 : i32
      %dma_start3A_36 = tpu.memref_slice %arg12[%mul3A_29, %dma_start3A_35] : memref<10240x128xf32, #tpu.memory_space<vmem_shared>> -> memref<640x128xf32, #tpu.memory_space<vmem_shared>>
      tpu.enqueue_dma source(%dma_start3A_36 : memref<640x128xf32, #tpu.memory_space<vmem_shared>>) target(%dma_start3A_34 : memref<640x128xf32, #tpu.memory_space<hbm>>) target_semaphore(%run_scoped3A : memref<!tpu.dma_semaphore, #tpu.memory_space<semaphore_mem>>)
      %dma_wait3A_37 = arith.constant 0 : i32
      %dma_wait3A_38 = tpu.memref_slice %arg6[%arg0, %mul3A_31, %dma_wait3A_37] : memref<2x10240x128xf32, #tpu.memory_space<hbm>> -> memref<1x640x128xf32, #tpu.memory_space<hbm>>
      %dma_wait3A_39 = tpu.memref_squeeze %dma_wait3A_38 : memref<1x640x128xf32, #tpu.memory_space<hbm>> -> memref<640x128xf32, #tpu.memory_space<hbm>>
      %dma_wait3A_40 = arith.constant 0 : i32
      %dma_wait3A_41 = tpu.memref_slice %arg12[%mul3A_29, %dma_wait3A_40] : memref<10240x128xf32, #tpu.memory_space<vmem_shared>> -> memref<640x128xf32, #tpu.memory_space<vmem_shared>>
      tpu.wait_dma2 semaphore(%run_scoped3A : memref<!tpu.dma_semaphore, #tpu.memory_space<semaphore_mem>>) src(%dma_wait3A_41 : memref<640x128xf32, #tpu.memory_space<vmem_shared>>) dst(%dma_wait3A_39 : memref<640x128xf32, #tpu.memory_space<hbm>>)
      tpu.yield
    }) : () -> ()
    return
  }
}

module attributes {stable_mosaic.version = 14 : i64} {
  func.func @_c1_body(%arg0: memref<2x10240x128xf32, #tpu.memory_space<vmem>>, %arg1: memref<10000x128xf32, #tpu.memory_space<vmem>>, %arg2: memref<128x64xf32, #tpu.memory_space<vmem>>, %arg3: memref<1x64xf32, #tpu.memory_space<vmem>>, %arg4: memref<64x64xf32, #tpu.memory_space<vmem>>, %arg5: memref<10000x64xf32, #tpu.memory_space<vmem>>, %arg6: memref<10000x128xf32, #tpu.memory_space<vmem>>) attributes {dimension_semantics = [], scalar_prefetch = 0 : i64, scratch_operands = 0 : i64, tpu.core_type = #tpu.core_type<tc>} {
    %get3A = arith.constant 0 : index
    %get3A_0 = arith.constant 0 : index
    %get3A_1 = arith.constant 64 : index
    %get3A_2 = vector.load %arg0[%get3A, %get3A_0, %get3A_1] : memref<2x10240x128xf32, #tpu.memory_space<vmem>>, vector<1x10000x1xf32>
    %get3A_3 = vector.shape_cast %get3A_2 : vector<1x10000x1xf32> to vector<10000x1xf32>
    %get3A_4 = arith.constant 1 : index
    %get3A_5 = arith.constant 0 : index
    %get3A_6 = arith.constant 64 : index
    %get3A_7 = vector.load %arg0[%get3A_4, %get3A_5, %get3A_6] : memref<2x10240x128xf32, #tpu.memory_space<vmem>>, vector<1x10000x1xf32>
    %get3A_8 = vector.shape_cast %get3A_7 : vector<1x10000x1xf32> to vector<10000x1xf32>
    %add3A = arith.addf %get3A_3, %get3A_8 : vector<10000x1xf32>
    %max3A = arith.constant 1.000000e+00 : f32
    %max3A_9 = vector.broadcast %max3A : f32 to vector<10000x1xf32>
    %max3A_10 = arith.maximumf %add3A, %max3A_9 : vector<10000x1xf32>
    %div3A = arith.constant 1.000000e+00 : f32
    %div3A_11 = vector.broadcast %div3A : f32 to vector<10000x1xf32>
    %div3A_12 = arith.divf %div3A_11, %max3A_10 : vector<10000x1xf32>
    %get3A_13 = arith.constant 0 : index
    %get3A_14 = arith.constant 0 : index
    %get3A_15 = arith.constant 0 : index
    %get3A_16 = vector.load %arg0[%get3A_13, %get3A_14, %get3A_15] : memref<2x10240x128xf32, #tpu.memory_space<vmem>>, vector<1x10000x64xf32>
    %get3A_17 = vector.shape_cast %get3A_16 : vector<1x10000x64xf32> to vector<10000x64xf32>
    %get3A_18 = arith.constant 1 : index
    %get3A_19 = arith.constant 0 : index
    %get3A_20 = arith.constant 0 : index
    %get3A_21 = vector.load %arg0[%get3A_18, %get3A_19, %get3A_20] : memref<2x10240x128xf32, #tpu.memory_space<vmem>>, vector<1x10000x64xf32>
    %get3A_22 = vector.shape_cast %get3A_21 : vector<1x10000x64xf32> to vector<10000x64xf32>
    %add3A_23 = arith.addf %get3A_17, %get3A_22 : vector<10000x64xf32>
    %mul3A = vector.broadcast %div3A_12 : vector<10000x1xf32> to vector<10000x64xf32>
    %mul3A_24 = arith.mulf %add3A_23, %mul3A : vector<10000x64xf32>
    %get3A_25 = arith.constant 0 : index
    %get3A_26 = arith.constant 0 : index
    %get3A_27 = vector.load %arg3[%get3A_25, %get3A_26] : memref<1x64xf32, #tpu.memory_space<vmem>>, vector<1x64xf32>
    %add3A_28 = vector.broadcast %get3A_27 : vector<1x64xf32> to vector<10000x64xf32>
    %add3A_29 = arith.addf %mul3A_24, %add3A_28 : vector<10000x64xf32>
    %get3A_30 = arith.constant 0 : index
    %get3A_31 = arith.constant 0 : index
    %get3A_32 = vector.load %arg1[%get3A_30, %get3A_31] : memref<10000x128xf32, #tpu.memory_space<vmem>>, vector<10000x128xf32>
    %get3A_33 = arith.constant 0 : index
    %get3A_34 = arith.constant 0 : index
    %get3A_35 = vector.load %arg2[%get3A_33, %get3A_34] : memref<128x64xf32, #tpu.memory_space<vmem>>, vector<128x64xf32>
    %dot_general3A = arith.constant dense<0.000000e+00> : vector<10000x64xf32>
    %dot_general3A_36 = tpu.matmul %get3A_32, %get3A_35, %dot_general3A {dimension_numbers = #tpu.dot_dimension_numbers<[1], [0], [0], [1], [0, 0, 1, 1], [], []>, transpose_lhs_hint = false} : vector<10000x128xf32>, vector<128x64xf32>, vector<10000x64xf32> -> vector<10000x64xf32>
    %add3A_37 = arith.addf %add3A_29, %dot_general3A_36 : vector<10000x64xf32>
    %max3A_38 = arith.constant 0.000000e+00 : f32
    %max3A_39 = vector.broadcast %max3A_38 : f32 to vector<10000x64xf32>
    %max3A_40 = arith.maximumf %add3A_37, %max3A_39 : vector<10000x64xf32>
    %swap3A = arith.constant 0 : index
    %swap3A_41 = arith.constant 0 : index
    %swap3A_42 = vector.load %arg5[%swap3A, %swap3A_41] : memref<10000x64xf32, #tpu.memory_space<vmem>>, vector<10000x64xf32>
    tpu.vector_store %arg5[%swap3A, %swap3A_41], %max3A_40 {strides = array<i32>} : memref<10000x64xf32, #tpu.memory_space<vmem>>, vector<10000x64xf32>,
    %get3A_43 = arith.constant 0 : index
    %get3A_44 = arith.constant 0 : index
    %get3A_45 = vector.load %arg4[%get3A_43, %get3A_44] : memref<64x64xf32, #tpu.memory_space<vmem>>, vector<64x64xf32>
    %dot_general3A_46 = arith.constant dense<0.000000e+00> : vector<10000x64xf32>
    %dot_general3A_47 = tpu.matmul %max3A_40, %get3A_45, %dot_general3A_46 {dimension_numbers = #tpu.dot_dimension_numbers<[1], [0], [0], [1], [0, 0, 1, 1], [], []>, transpose_lhs_hint = false} : vector<10000x64xf32>, vector<64x64xf32>, vector<10000x64xf32> -> vector<10000x64xf32>
    %broadcast_in_dim3A = arith.constant 0.000000e+00 : f32
    %broadcast_in_dim3A_48 = vector.broadcast %broadcast_in_dim3A : f32 to vector<10000x64xf32>
    %concatenate3A = tpu.concatenate %dot_general3A_47, %broadcast_in_dim3A_48 in 1 : vector<10000x64xf32>, vector<10000x64xf32> -> vector<10000x128xf32>
    %swap3A_49 = arith.constant 0 : index
    %swap3A_50 = arith.constant 0 : index
    %swap3A_51 = vector.load %arg6[%swap3A_49, %swap3A_50] : memref<10000x128xf32, #tpu.memory_space<vmem>>, vector<10000x128xf32>
    tpu.vector_store %arg6[%swap3A_49, %swap3A_50], %concatenate3A {strides = array<i32>} : memref<10000x128xf32, #tpu.memory_space<vmem>>, vector<10000x128xf32>,
    return
  }
}

module attributes {stable_mosaic.version = 14 : i64} {
  func.func @_p1_body(%arg0: memref<10000x128xf32, #tpu.memory_space<vmem>>, %arg1: memref<128x64xf32, #tpu.memory_space<vmem>>, %arg2: memref<10000x128xf32, #tpu.memory_space<vmem>>) attributes {dimension_semantics = [], scalar_prefetch = 0 : i64, scratch_operands = 0 : i64, tpu.core_type = #tpu.core_type<tc>} {
    %get3A = arith.constant 0 : index
    %get3A_0 = arith.constant 0 : index
    %get3A_1 = vector.load %arg0[%get3A, %get3A_0] : memref<10000x128xf32, #tpu.memory_space<vmem>>, vector<10000x128xf32>
    %get3A_2 = arith.constant 0 : index
    %get3A_3 = arith.constant 0 : index
    %get3A_4 = vector.load %arg1[%get3A_2, %get3A_3] : memref<128x64xf32, #tpu.memory_space<vmem>>, vector<128x64xf32>
    %dot_general3A = arith.constant dense<0.000000e+00> : vector<10000x64xf32>
    %dot_general3A_5 = tpu.matmul %get3A_1, %get3A_4, %dot_general3A {dimension_numbers = #tpu.dot_dimension_numbers<[1], [0], [0], [1], [0, 0, 1, 1], [], []>, transpose_lhs_hint = false} : vector<10000x128xf32>, vector<128x64xf32>, vector<10000x64xf32> -> vector<10000x64xf32>
    %broadcast_in_dim3A = arith.constant 1.000000e+00 : f32
    %broadcast_in_dim3A_6 = vector.broadcast %broadcast_in_dim3A : f32 to vector<10000x1xf32>
    %broadcast_in_dim3A_7 = arith.constant 0.000000e+00 : f32
    %broadcast_in_dim3A_8 = vector.broadcast %broadcast_in_dim3A_7 : f32 to vector<10000x63xf32>
    %concatenate3A = tpu.concatenate %dot_general3A_5, %broadcast_in_dim3A_6, %broadcast_in_dim3A_8 in 1 : vector<10000x64xf32>, vector<10000x1xf32>, vector<10000x63xf32> -> vector<10000x128xf32>
    %swap3A = arith.constant 0 : index
    %swap3A_9 = arith.constant 0 : index
    %swap3A_10 = vector.load %arg2[%swap3A, %swap3A_9] : memref<10000x128xf32, #tpu.memory_space<vmem>>, vector<10000x128xf32>
    tpu.vector_store %arg2[%swap3A, %swap3A_9], %concatenate3A {strides = array<i32>} : memref<10000x128xf32, #tpu.memory_space<vmem>>, vector<10000x128xf32>,
    return
  }
}

module attributes {stable_mosaic.version = 14 : i64} {
  func.func @_c2_body(%arg0: memref<2x10240x128xf32, #tpu.memory_space<vmem>>, %arg1: memref<2x10240x128xf32, #tpu.memory_space<vmem>>, %arg2: memref<10000x64xf32, #tpu.memory_space<vmem>>, %arg3: memref<64x64xf32, #tpu.memory_space<vmem>>, %arg4: memref<1x64xf32, #tpu.memory_space<vmem>>, %arg5: memref<10000x128xf32, #tpu.memory_space<vmem>>) attributes {dimension_semantics = [], scalar_prefetch = 0 : i64, scratch_operands = 0 : i64, tpu.core_type = #tpu.core_type<tc>} {
    %get3A = arith.constant 0 : index
    %get3A_0 = arith.constant 0 : index
    %get3A_1 = arith.constant 64 : index
    %get3A_2 = vector.load %arg1[%get3A, %get3A_0, %get3A_1] : memref<2x10240x128xf32, #tpu.memory_space<vmem>>, vector<1x10000x1xf32>
    %get3A_3 = vector.shape_cast %get3A_2 : vector<1x10000x1xf32> to vector<10000x1xf32>
    %get3A_4 = arith.constant 1 : index
    %get3A_5 = arith.constant 0 : index
    %get3A_6 = arith.constant 64 : index
    %get3A_7 = vector.load %arg1[%get3A_4, %get3A_5, %get3A_6] : memref<2x10240x128xf32, #tpu.memory_space<vmem>>, vector<1x10000x1xf32>
    %get3A_8 = vector.shape_cast %get3A_7 : vector<1x10000x1xf32> to vector<10000x1xf32>
    %add3A = arith.addf %get3A_3, %get3A_8 : vector<10000x1xf32>
    %max3A = arith.constant 1.000000e+00 : f32
    %max3A_9 = vector.broadcast %max3A : f32 to vector<10000x1xf32>
    %max3A_10 = arith.maximumf %add3A, %max3A_9 : vector<10000x1xf32>
    %div3A = arith.constant 1.000000e+00 : f32
    %div3A_11 = vector.broadcast %div3A : f32 to vector<10000x1xf32>
    %div3A_12 = arith.divf %div3A_11, %max3A_10 : vector<10000x1xf32>
    %get3A_13 = arith.constant 0 : index
    %get3A_14 = arith.constant 0 : index
    %get3A_15 = arith.constant 0 : index
    %get3A_16 = vector.load %arg0[%get3A_13, %get3A_14, %get3A_15] : memref<2x10240x128xf32, #tpu.memory_space<vmem>>, vector<1x10000x64xf32>
    %get3A_17 = vector.shape_cast %get3A_16 : vector<1x10000x64xf32> to vector<10000x64xf32>
    %get3A_18 = arith.constant 1 : index
    %get3A_19 = arith.constant 0 : index
    %get3A_20 = arith.constant 0 : index
    %get3A_21 = vector.load %arg0[%get3A_18, %get3A_19, %get3A_20] : memref<2x10240x128xf32, #tpu.memory_space<vmem>>, vector<1x10000x64xf32>
    %get3A_22 = vector.shape_cast %get3A_21 : vector<1x10000x64xf32> to vector<10000x64xf32>
    %add3A_23 = arith.addf %get3A_17, %get3A_22 : vector<10000x64xf32>
    %mul3A = vector.broadcast %div3A_12 : vector<10000x1xf32> to vector<10000x64xf32>
    %mul3A_24 = arith.mulf %add3A_23, %mul3A : vector<10000x64xf32>
    %get3A_25 = arith.constant 0 : index
    %get3A_26 = arith.constant 0 : index
    %get3A_27 = vector.load %arg4[%get3A_25, %get3A_26] : memref<1x64xf32, #tpu.memory_space<vmem>>, vector<1x64xf32>
    %add3A_28 = vector.broadcast %get3A_27 : vector<1x64xf32> to vector<10000x64xf32>
    %add3A_29 = arith.addf %mul3A_24, %add3A_28 : vector<10000x64xf32>
    %get3A_30 = arith.constant 0 : index
    %get3A_31 = arith.constant 0 : index
    %get3A_32 = vector.load %arg2[%get3A_30, %get3A_31] : memref<10000x64xf32, #tpu.memory_space<vmem>>, vector<10000x64xf32>
    %get3A_33 = arith.constant 0 : index
    %get3A_34 = arith.constant 0 : index
    %get3A_35 = vector.load %arg3[%get3A_33, %get3A_34] : memref<64x64xf32, #tpu.memory_space<vmem>>, vector<64x64xf32>
    %dot_general3A = arith.constant dense<0.000000e+00> : vector<10000x64xf32>
    %dot_general3A_36 = tpu.matmul %get3A_32, %get3A_35, %dot_general3A {dimension_numbers = #tpu.dot_dimension_numbers<[1], [0], [0], [1], [0, 0, 1, 1], [], []>, transpose_lhs_hint = false} : vector<10000x64xf32>, vector<64x64xf32>, vector<10000x64xf32> -> vector<10000x64xf32>
    %add3A_37 = arith.addf %add3A_29, %dot_general3A_36 : vector<10000x64xf32>
    %max3A_38 = arith.constant 0.000000e+00 : f32
    %max3A_39 = vector.broadcast %max3A_38 : f32 to vector<10000x64xf32>
    %max3A_40 = arith.maximumf %add3A_37, %max3A_39 : vector<10000x64xf32>
    %broadcast_in_dim3A = arith.constant 0.000000e+00 : f32
    %broadcast_in_dim3A_41 = vector.broadcast %broadcast_in_dim3A : f32 to vector<10000x64xf32>
    %concatenate3A = tpu.concatenate %max3A_40, %broadcast_in_dim3A_41 in 1 : vector<10000x64xf32>, vector<10000x64xf32> -> vector<10000x128xf32>
    %swap3A = arith.constant 0 : index
    %swap3A_42 = arith.constant 0 : index
    %swap3A_43 = vector.load %arg5[%swap3A, %swap3A_42] : memref<10000x128xf32, #tpu.memory_space<vmem>>, vector<10000x128xf32>
    tpu.vector_store %arg5[%swap3A, %swap3A_42], %concatenate3A {strides = array<i32>} : memref<10000x128xf32, #tpu.memory_space<vmem>>, vector<10000x128xf32>,
    return
  }
}

module attributes {stable_mosaic.version = 14 : i64} {
  func.func @_c3_body(%arg0: memref<2x10240x128xf32, #tpu.memory_space<vmem>>, %arg1: memref<2x10240x128xf32, #tpu.memory_space<vmem>>, %arg2: memref<10000x128xf32, #tpu.memory_space<vmem>>, %arg3: memref<64x128xf32, #tpu.memory_space<vmem>>, %arg4: memref<1x128xf32, #tpu.memory_space<vmem>>, %arg5: memref<128x128xf32, #tpu.memory_space<vmem>>, %arg6: memref<10000x128xf32, #tpu.memory_space<vmem>>) attributes {dimension_semantics = [], scalar_prefetch = 0 : i64, scratch_operands = 0 : i64, tpu.core_type = #tpu.core_type<tc>} {
    %get3A = arith.constant 0 : index
    %get3A_0 = arith.constant 0 : index
    %get3A_1 = arith.constant 64 : index
    %get3A_2 = vector.load %arg1[%get3A, %get3A_0, %get3A_1] : memref<2x10240x128xf32, #tpu.memory_space<vmem>>, vector<1x10000x1xf32>
    %get3A_3 = vector.shape_cast %get3A_2 : vector<1x10000x1xf32> to vector<10000x1xf32>
    %get3A_4 = arith.constant 1 : index
    %get3A_5 = arith.constant 0 : index
    %get3A_6 = arith.constant 64 : index
    %get3A_7 = vector.load %arg1[%get3A_4, %get3A_5, %get3A_6] : memref<2x10240x128xf32, #tpu.memory_space<vmem>>, vector<1x10000x1xf32>
    %get3A_8 = vector.shape_cast %get3A_7 : vector<1x10000x1xf32> to vector<10000x1xf32>
    %add3A = arith.addf %get3A_3, %get3A_8 : vector<10000x1xf32>
    %max3A = arith.constant 1.000000e+00 : f32
    %max3A_9 = vector.broadcast %max3A : f32 to vector<10000x1xf32>
    %max3A_10 = arith.maximumf %add3A, %max3A_9 : vector<10000x1xf32>
    %div3A = arith.constant 1.000000e+00 : f32
    %div3A_11 = vector.broadcast %div3A : f32 to vector<10000x1xf32>
    %div3A_12 = arith.divf %div3A_11, %max3A_10 : vector<10000x1xf32>
    %get3A_13 = arith.constant 0 : index
    %get3A_14 = arith.constant 0 : index
    %get3A_15 = arith.constant 0 : index
    %get3A_16 = vector.load %arg0[%get3A_13, %get3A_14, %get3A_15] : memref<2x10240x128xf32, #tpu.memory_space<vmem>>, vector<1x10000x64xf32>
    %get3A_17 = vector.shape_cast %get3A_16 : vector<1x10000x64xf32> to vector<10000x64xf32>
    %get3A_18 = arith.constant 1 : index
    %get3A_19 = arith.constant 0 : index
    %get3A_20 = arith.constant 0 : index
    %get3A_21 = vector.load %arg0[%get3A_18, %get3A_19, %get3A_20] : memref<2x10240x128xf32, #tpu.memory_space<vmem>>, vector<1x10000x64xf32>
    %get3A_22 = vector.shape_cast %get3A_21 : vector<1x10000x64xf32> to vector<10000x64xf32>
    %add3A_23 = arith.addf %get3A_17, %get3A_22 : vector<10000x64xf32>
    %mul3A = vector.broadcast %div3A_12 : vector<10000x1xf32> to vector<10000x64xf32>
    %mul3A_24 = arith.mulf %add3A_23, %mul3A : vector<10000x64xf32>
    %get3A_25 = arith.constant 0 : index
    %get3A_26 = arith.constant 0 : index
    %get3A_27 = vector.load %arg3[%get3A_25, %get3A_26] : memref<64x128xf32, #tpu.memory_space<vmem>>, vector<64x128xf32>
    %dot_general3A = arith.constant dense<0.000000e+00> : vector<10000x128xf32>
    %dot_general3A_28 = tpu.matmul %mul3A_24, %get3A_27, %dot_general3A {dimension_numbers = #tpu.dot_dimension_numbers<[1], [0], [0], [1], [0, 0, 1, 1], [], []>, transpose_lhs_hint = false} : vector<10000x64xf32>, vector<64x128xf32>, vector<10000x128xf32> -> vector<10000x128xf32>
    %get3A_29 = arith.constant 0 : index
    %get3A_30 = arith.constant 0 : index
    %get3A_31 = vector.load %arg4[%get3A_29, %get3A_30] : memref<1x128xf32, #tpu.memory_space<vmem>>, vector<1x128xf32>
    %add3A_32 = vector.broadcast %get3A_31 : vector<1x128xf32> to vector<10000x128xf32>
    %add3A_33 = arith.addf %dot_general3A_28, %add3A_32 : vector<10000x128xf32>
    %get3A_34 = arith.constant 0 : index
    %get3A_35 = arith.constant 0 : index
    %get3A_36 = vector.load %arg2[%get3A_34, %get3A_35] : memref<10000x128xf32, #tpu.memory_space<vmem>>, vector<10000x128xf32>
    %get3A_37 = arith.constant 0 : index
    %get3A_38 = arith.constant 0 : index
    %get3A_39 = vector.load %arg5[%get3A_37, %get3A_38] : memref<128x128xf32, #tpu.memory_space<vmem>>, vector<128x128xf32>
    %dot_general3A_40 = arith.constant dense<0.000000e+00> : vector<10000x128xf32>
    %dot_general3A_41 = tpu.matmul %get3A_36, %get3A_39, %dot_general3A_40 {dimension_numbers = #tpu.dot_dimension_numbers<[1], [0], [0], [1], [0, 0, 1, 1], [], []>, transpose_lhs_hint = false} : vector<10000x128xf32>, vector<128x128xf32>, vector<10000x128xf32> -> vector<10000x128xf32>
    %add3A_42 = arith.addf %add3A_33, %dot_general3A_41 : vector<10000x128xf32>
    %swap3A = arith.constant 0 : index
    %swap3A_43 = arith.constant 0 : index
    %swap3A_44 = vector.load %arg6[%swap3A, %swap3A_43] : memref<10000x128xf32, #tpu.memory_space<vmem>>, vector<10000x128xf32>
    tpu.vector_store %arg6[%swap3A, %swap3A_43], %add3A_42 {strides = array<i32>} : memref<10000x128xf32, #tpu.memory_space<vmem>>, vector<10000x128xf32>,
    return
  }
}

</mosaic_0001>

<sc_bundles>
// kernel: kernel.12.cloned.1.call-start
scs
__scs_entry_jumppad:
0x0: {  	(pc) =	sbr.rel $0x88, $3  }
0x1: {  	(tag) =	ssettag $0x0;
	lr =	simm.s32 $0x1  }
0x2: {  	[smem:$0x3F96] =	sst lr;
	_ =	strace $0xD0000000  }
0x3: {  	_ = 	snop  }
0x4: {  	_ = 	snop  }
0x5: {  	_ = 	snop  }
0x6: {  	_ = 	snop  }
0x7: {  	_ = 	snop  }
__scs_overlays_trampoline_lowered:
0x8: {  	[smem:$0x3FA5] =	sst s0  }
0x9: {  	[smem:$0x3FA6] =	sst s1  }
0xa: {  	[smem:$0x3FA7] =	sst s2  }
0xb: {  	[smem:$0x3FA8] =	sst s3  }
0xc: {  	[smem:$0x3FA9] =	sst s4  }
0xd: {  	[smem:$0x3FAA] =	sst s5  }
0xe: {  	[smem:$0x3FAB] =	sst s6  }
0xf: {  	[smem:$0x3FAC] =	sst s7  }
0x10: {  	[smem:$0x3FAD] =	sst s8  }
0x11: {  	[smem:$0x3FAE] =	sst s9;
	s0 =	simm.s32 @!p0 $0x0  }
0x12: {  	s1 =	sld [smem:$0x3F94];
	s0 =	simm.s32 @p0 $0x1  }
0x13: {  	[smem:$0x3FAF] =	sst s0;
	s0 =	simm.s32 @!p1 $0x0  }
0x14: {  	s2 =	sld [smem:$0x3F93];
	s0 =	simm.s32 @p1 $0x1  }
0x15: {  	[smem:$0x3FB0] =	sst s0;
	s0 =	simm.s32 @!p2 $0x0  }
0x16: {  	s3 =	sld [smem:$0x3FDB];
	s0 =	simm.s32 @p2 $0x1  }
0x17: {  	s4 =	simm.s32 $0x1BF5;
	[smem:$0x3FB2] =	sst s0  }
0x18: {  	s0 =	sld [smem:$0x3F95];
	_ =	swait.ge [sflag:s4], $0x0  }
0x19: {  	s7 =	sld [smem:$0x3F96]  }
0x1a: {  	s8 =	sadd.s32 $0xFFFFE003, lr  }
0x1b: {  	s9 =	sadd.s32 $0xFFFFFEF7, lr;
	s5 =	simm.s32 $0xFFFFFFFF;
	p2 =	slt.u32 s8, $0xFFFFF086  }
0x1c: {  	p1 =	slt.u32 s9, $0xF7A;
	s5 =	simm.s32 @!p2 $0x0  }
0x1d: {  	s5 =	simm.s32 @p1 $0x1;
	p0 =	seq.s32 s7, s2  }
0x1e: {  	s7 =	smul.u32 @!p0 $0xF7A, s2;
	p2 =	seq.s32 @!p0 s5, $0x0  }
0x1f: {  	s9 =	smul.u32 $0xF7A, s1;
	s8 =	simm.s32 @!p0 $0x1BF5;
	p2 =	por !p2, p0  }
0x20: {  	[sflag:s8] =	ssyncset.s32 @!p0 $0xFFFFF086;
	s6 =	sadd.s32 @!p0 s3, s7;
	s7 =	simm.s32 @!p0 $0x108  }
0x21: {  	s3 =	sadd.s32 s3, s9;
	s6 =	sadd.s32 @!p0 $0x88, s6;
	s7 =	simm.s32 @p2 $0x1082  }
0x22: {  	[simem:s7], [sflag:s8] =	dma.local @!p0 [hbm:s6], $0xF7A  }
0x23: {  	s9 =	sor.u32 $0xD0000000, s2;
	s6 =	simm.s32 $0x108;
	_ =	swait.ge @!p0 [sflag:s8], $0x0  }
0x24: {  	s3 =	sadd.s32 $0x88, s3;
	s6 =	simm.s32 @!p1 $0x1082;
	[sflag:s4] =	ssyncset.s32 $0xFFFFF086  }
0x25: {  	[simem:s6], [sflag:s4] =	dma.local [hbm:s3], $0xF7A  }
0x26: {  	[smem:$0x3F96] =	sst s1;
	(tag) =	ssettag s2;
	_ =	strace s9  }
0x27: {  	s1 =	sld [smem:$0x3FA6]  }
0x28: {  	s2 =	sld [smem:$0x3FA7]  }
0x29: {  	s4 =	sld [smem:$0x3FA9]  }
0x2a: {  	p0 =	seq.s32 s5, $0x0;
	s5 =	sld [smem:$0x3FAA]  }
0x2b: {  	s6 =	sld [smem:$0x3FAB]  }
0x2c: {  	s7 =	sld [smem:$0x3FAC]  }
0x2d: {  	s3 =	simm.s32 $0x108;
	s8 =	sld [smem:$0x3FAD]  }
0x2e: {  	s3 =	simm.s32 @!p0 $0x1082;
	s9 =	sld [smem:$0x3FAE]  }
0x2f: {  	lr =	sadd.s32 s0, s3;
	s0 =	sld [smem:$0x3FA5]  }
0x30: {  	s3 =	sld [smem:$0x3FA8]  }
0x31: {  	[smem:$0x3FB1] =	sst s10  }
0x32: {  	s10 =	sld [smem:$0x3FAF];
	_ =	sdelay $0x3  }
0x33: {  	p0 =	seq.s32 s10, $0x1;
	s10 =	sld [smem:$0x3FB1];
	_ =	sdelay $0x3  }
0x34: {  	[smem:$0x3FB1] =	sst s10  }
0x35: {  	s10 =	sld [smem:$0x3FB0];
	_ =	sdelay $0x3  }
0x36: {  	p1 =	seq.s32 s10, $0x1;
	s10 =	sld [smem:$0x3FB1];
	_ =	sdelay $0x3  }
0x37: {  	[smem:$0x3FB1] =	sst s10  }
0x38: {  	s10 =	sld [smem:$0x3FB2]  }
0x39: {  	_ = 	snop;
	(pc) =	sbr.ind lr, $3  }
0x3a: {  	_ = 	snop  }
0x3b: {  	_ = 	snop  }
0x3c: {  	p2 =	seq.s32 s10, $0x1;
	s10 =	sld [smem:$0x3FB1]  }
0x3d: {  	_ =	shalt  }
0x3e: {  	_ =	shalt  }
0x3f: {  	_ =	shalt  }
0x40: {  	_ =	shalt  }
0x41: {  	_ =	shalt  }
0x42: {  	_ =	shalt  }
0x43: {  	_ =	shalt  }
0x44: {  	_ =	shalt  }
0x45: {  	_ =	shalt  }
0x46: {  	_ =	shalt  }
0x47: {  	_ =	shalt  }
0x48: {  	_ =	shalt  }
0x49: {  	_ =	shalt  }
0x4a: {  	_ =	shalt  }
0x4b: {  	_ =	shalt  }
0x4c: {  	_ =	shalt  }
0x4d: {  	_ =	shalt  }
0x4e: {  	_ =	shalt  }
0x4f: {  	_ =	shalt  }
0x50: {  	_ =	shalt  }
0x51: {  	_ =	shalt  }
0x52: {  	_ =	shalt  }
0x53: {  	_ =	shalt  }
0x54: {  	_ =	shalt  }
0x55: {  	_ =	shalt  }
0x56: {  	_ =	shalt  }
0x57: {  	_ =	shalt  }
0x58: {  	_ =	shalt  }
0x59: {  	_ =	shalt  }
0x5a: {  	_ =	shalt  }
0x5b: {  	_ =	shalt  }
0x5c: {  	_ =	shalt  }
0x5d: {  	_ =	shalt  }
0x5e: {  	_ =	shalt  }
0x5f: {  	_ =	shalt  }
0x60: {  	_ =	shalt  }
0x61: {  	_ =	shalt  }
0x62: {  	_ =	shalt  }
0x63: {  	_ =	shalt  }
0x64: {  	_ =	shalt  }
0x65: {  	_ =	shalt  }
0x66: {  	_ =	shalt  }
0x67: {  	_ =	shalt  }
0x68: {  	_ =	shalt  }
0x69: {  	_ =	shalt  }
0x6a: {  	_ =	shalt  }
0x6b: {  	_ =	shalt  }
0x6c: {  	_ =	shalt  }
0x6d: {  	_ =	shalt  }
0x6e: {  	_ =	shalt  }
0x6f: {  	_ =	shalt  }
0x70: {  	_ =	shalt  }
0x71: {  	_ =	shalt  }
0x72: {  	_ =	shalt  }
0x73: {  	_ =	shalt  }
0x74: {  	_ =	shalt  }
0x75: {  	_ =	shalt  }
0x76: {  	_ =	shalt  }
0x77: {  	_ =	shalt  }
0x78: {  	_ =	shalt  }
0x79: {  	_ =	shalt  }
0x7a: {  	_ =	shalt  }
0x7b: {  	_ =	shalt  }
0x7c: {  	_ =	shalt  }
0x7d: {  	_ =	shalt  }
0x7e: {  	_ =	shalt  }
0x7f: {  	_ =	shalt  }
0x80: {  	_ =	shalt  }
0x81: {  	_ =	shalt  }
0x82: {  	_ =	shalt  }
0x83: {  	_ =	shalt  }
0x84: {  	_ =	shalt  }
0x85: {  	_ =	shalt  }
0x86: {  	_ =	shalt  }
0x87: {  	_ =	shalt  }
.Lfunc_end0:
.L_simem_size_0:
called_computation.1_lowered:
.L_overlay_start_0:
0x88: {  	s2 =	sld [smem:$0x3FD9]  }
0x89: {  	s3 =	sld [smem:$0x3FFE];
	_ =	sdelay $0x1  }
0x8a: {  	s1 =	srdreg.scid  }
0x8b: {  	s0 =	sand.u32 $0x1, s1  }
0x8c: {  	s17 =	sshll.u32 s0, $0xA;
	s2 =	sadd.s32 s3, s2  }
0x8d: {  	s2 =	sadd.s32 s2, s17  }
0x8e: {  	[smem:$0x3FBD] =	sst s2  }
0x8f: {  	_ = 	snop  }
0x90: {  	s2 =	sld [smem:$0x3FD0];
	(tm) =	ssettm $0x1  }
0x91: {  	s18 =	sld [smem:$0x3FFB];
	_ =	sdelay $0x3  }
0x92: {  	_ =	strace s18  }
0x93: {  	s3 =	sld [smem:$0x3FFC];
	_ =	sdelay $0x3  }
0x94: {  	_ =	strace s3  }
0x95: {  	s3 =	sld [smem:$0x3FFD];
	_ =	sdelay $0x3  }
0x96: {  	_ =	strace s3  }
0x97: {  	_ =	strace $0x8FFFFFFF  }
0x98: {  	s19 =	sld [smem:$0x3FDB];
	_ =	sdelay $0x1  }
0x99: {  	s4 =	simm.s32 $_scs_section_size  }
0x9a: {  	s5 =	simm.s32 $_size__tile_overlayer_lowered;
	s6 =	simm.s32 $_tile_overlayer_lowered  }
0x9b: {  	s22 =	simm.s32 $0x1BFF;
	s21 =	sshll.u32 s6, $0x1;
	s3 =	sadd.s32 s4, s19  }
0x9c: {  	s7 =	simm.s32 $0x0;
	s20 =	sshll.u32 s5, $0x1;
	s5 =	sadd.s32 s21, s3  }
0x9d: {  	[timem:s7], [sflag:s22] =	dma.local [hbm:s5], s20  }
0x9e: {  	_ =	swait.ge [sflag:s22], s20  }
0x9f: {  	s4 =	ssub.s32 $0x0, s20;
	[sflag:s22] =	ssyncset.done $0x0  }
0xa0: {  	[sflag:s22] =	ssyncadd.s32 s4;
	_ =	sdelay $0x1  }
0xa1: {  	s23 =	simm.s32 $0x1B8B  }
0xa2: {  	_ =	swait.ge [sflag:s23], $0x1  }
0xa3: {  	[sflag:s23] =	ssyncset.done $0x0  }
0xa4: {  	s25 =	simm.s32 $0x1B8E;
	s24 =	sld [smem:$0x3FFE];
	[sflag:s23] =	ssyncadd.s32 $0xFFFFFFFF  }
0xa5: {  	s26 =	simm.s32 $execute0_lowered;
	[smem:$0x3FD2] =	sst s25  }
0xa6: {  	s5 =	sshll.u32 s26, $0x1;
	_ =	strace $0x80000049;
	[dreg:$0x1] =	wrdreg $0xFFFFFFFF  }
0xa7: {  	s28 =	simm.s32 $_size_execute0_lowered;
	s3 =	sadd.s32 s3, s5;
	[dreg:$0x0] =	wrdreg $0x0  }
0xa8: {  	s5 =	sshll.u32 s28, $0x1;
	[dreg:$0x2] =	wrdreg s3  }
0xa9: {  	[dreg:$0x3] =	wrdreg s5  }
0xaa: {  	[dreg:$0x4] =	wrdreg $0xC0  }
0xab: {  	_ =	task [dreg:s7], $0x5FFFF  }
0xac: {  	[dreg:$0x1] =	wrdreg $0xFFFFFFFF  }
0xad: {  	[dreg:$0x0] =	wrdreg $0x60  }
0xae: {  	[dreg:$0x2] =	wrdreg s2  }
0xaf: {  	[dreg:$0x3] =	wrdreg s24  }
0xb0: {  	[dreg:$0x4] =	wrdreg $0x2A000  }
0xb1: {  	[dreg:$0x5] =	wrdreg $0x9  }
0xb2: {  	_ =	task.clear_ibuf [dreg:s7], $0x6FFFF;
	_ =	strace $0x90000049  }
0xb3: {  	s29 =	simm.s32 $0x9;
	_ =	strace $0x8000004B  }
0xb4: {  	_ =	swait.ge [sflag:s29], $0x1  }
0xb5: {  	[sflag:s29] =	ssyncadd.s32 $0xFFFFFFFF  }
0xb6: {  	_ =	strace $0x9000004B  }
0xb7: {  	_ =	sfence  }
0xb8: {  	s30 =	sld [smem:$0x0];
	_ =	sdelay $0x2  }
0xb9: {  	s31 =	sshll.u32 s1, $0xD;
	s1 =	sshrl.u32 s1, $0x2  }
0xba: {  	s3 =	sand.u32 $0x4000, s31;
	s1 =	sadd.s32 s1, s30  }
0xbb: {  	s0 =	sor.u32 s3, s0;
	s1 =	sshll.u32 s1, $0x11  }
0xbc: {  	s0 =	sor.u32 s1, s0  }
0xbd: {  	s0 =	sadd.s32 $0x8F2B, s0  }
0xbe: {  	[sflag:s0] =	ssyncadd.remote.s32 $0x1  }
0xbf: {  	_ =	sfence.sel $0xFFFF  }
0xc0: {  	[dreg:$0x0] =	wrdreg $0xFFFFFFFF;
	(pc) =	sbr.abs _section_cstart, $3  }
0xc1: {  	[dreg:$0x1] =	wrdreg $0xFFFFFFFF  }
0xc2: {  	_ =	task.clear_ibuf [dreg:s7], $0x2FFFF;
	_ =	strace $0x9FFFFFFF  }
0xc3: {  	(tm) =	ssettm $0x7FFFFFFF  }
tec
execute0_lowered:
.L_overlay_start_1:
0x0: {  	(tag) =	ssettag $0x1  }
0x1: {  	s1 =	rddreg [dreg:$0x0]  }
0x2: {  	s8 =	rddreg [dreg:$0x1]  }
0x3: {  	s2 =	rddreg [dreg:$0x2]  }
0x4: {  	s3 =	srdreg.scid;
	s4 =	simm.s32 $0x0;
	s19 =	simm.s32 $0x3  }
0x5: {  	s20 =	simm.s32 $0x80;
	s21 =	simm.s32 $0x50;
	s22 =	simm.s32 $0x200  }
0x6: {  	s28 =	simm.s32 $0x0;
	s9 =	sand.u32 $0x1, s3;
	s3 =	stileid.u32  }
0x7: {  	[smem:$0x7FF] =	sst s4;
	s5 =	sadd.s32 $0xC400, s8;
	s10 =	smul.u32 $0x140000, s9  }
0x8: {  	s6 =	sadd.s32 $0x2600, s8;
	s7 =	sadd.s32 $0x16200, s8;
	s11 =	smul.u32 $0x14000, s3  }
0x9: {  	_ =	strace $0x8000004A;
	s23 =	sshll.u32 s3, $0x1;
	s12 =	smul.u32 $0x50000, s3  }
0xa: {  	s24 =	ssub.s32 $0x2, s9;
	s29 =	smul.u32 $0x4E20, s3;
	s30 =	sshll.u32 s3, $0x6  }
0xb: {  	s15 =	smul.u32 $0x2710, s9;
	s25 =	sor.u32 s9, s23;
	s26 =	sshrl.u32 s24, $0x1  }
0xc: {  	s23 =	simm.s32 $0x100;
	s10 =	sadd.s32 s11, s10;
	s12 =	sshrl.u32 s12, $0x2  }
0xd: {  	s14 =	ssub.s32 s24, s26;
	s15 =	sadd.s32 s15, s29;
	s24 =	simm.s32 $0x1  }
0xe: {  	s26 =	simm.s32 $0x2;
	s10 =	sshrl.u32 s10, $0x3;
	s18 =	sadd.s32 s12, s2  }
0xf: {  	s31 =	sadd.s32 $0x50, s15;
	s13 =	sadd.s32 s10, s8;
	s10 =	smul.u32 $0x2710, s25  }
0x10: {  	s14 =	smax.u32 s14, $0x1;
	s15 =	sadd.s32 $0xA0, s15;
	s8 =	sor.u32 $0x1C03, s30  }
0x11: {  	s17 =	sshrl.u32 s31, $0x3;
	s18 =	sshrl.u32 s18, $0x3;
	s10 =	sshrl.u32 s10, $0x3  }
0x12: {  	s25 =	simm.s32 $0x180;
	s13 =	sadd.s32 $0x68A00, s13;
	s16 =	sadd.s32 $0x4D8, s10  }
0x13: {  	s9 =	sadd.s32 s5, s10;
	s10 =	sadd.s32 s6, s10;
	s11 =	sadd.s32 s5, s16  }
0x14: {  	s12 =	sadd.s32 s6, s16;
	s16 =	sadd.s32 s17, s6;
	s17 =	sadd.s32 s17, s5  }
.LBB2_1:
0x15: {  	[spmem:s18], [sflag:s8] =	dma.local [hbm:s7], $0x2800  }
0x16: {  	_ =	swait.ge [sflag:s19], $0x2800  }
0x17: {  	[sflag:s19] =	ssyncset.done $0x0  }
0x18: {  	[sflag:s19] =	ssyncadd.s32 $0xFFFFD800  }
0x19: {  	[bflag:$0x0] =	sbarrier.arrive $0xFFFF  }
0x1a: {  	[tilespmem:s4], [sflag:$0x3] =	stream.linear.gather [hbm4b:s9+s4], $0x50, $0x38;
	[tilespmem:$0x16A00] =	vst v63  }
0x1b: {  	_ =	swait.ge [sflag:s19], $0x50  }
0x1c: {  	[sflag:s19] =	ssyncset.done $0x0  }
0x1d: {  	[sflag:s19] =	ssyncadd.s32 $0xFFFFFFB0  }
0x1e: {  	[tilespmem:s20], [sflag:$0x3] =	stream.linear.gather [hbm4b:s10+s4], $0x50, $0x38;
	[tilespmem:$0x16A00] =	vst v63  }
0x1f: {  	_ =	swait.ge [sflag:s19], $0x50  }
0x20: {  	[sflag:s19] =	ssyncset.done $0x0  }
0x21: {  	[sflag:s19] =	ssyncadd.s32 $0xFFFFFFB0  }
0x22: {  	[tilespmem:s22], [sflag:$0x1] =	stream.indirect.gather [hbm4b:s1+s21], $0x80, s4, s21, $0xb8;
	[tilespmem:$0x16A00] =	vst v63  }
0x23: {  	s29 =	sadd.s32 $0x0, s17  }
0x24: {  	[tilespmem:s23], [sflag:$0x3] =	stream.linear.gather [hbm4b:s29+s4], $0x50, $0x38;
	[tilespmem:$0x16A00] =	vst v63  }
0x25: {  	_ =	swait.ge [sflag:s19], $0x50  }
0x26: {  	[sflag:s19] =	ssyncset.done $0x0  }
0x27: {  	[sflag:s19] =	ssyncadd.s32 $0xFFFFFFB0  }
0x28: {  	_ =	swait.ge [sflag:s24], $0x2800  }
0x29: {  	[sflag:s24] =	ssyncset.done $0x0  }
0x2a: {  	[sflag:s24] =	ssyncadd.s32 $0xFFFFD800  }
0x2b: {  	[spmem:s2] =	stream.indirect.scatter.add.f32 [tilespmem:s22], [sflag:$0x2], $0x80, s20, s21, $0xb8;
	[tilespmem:$0x16A00] =	vst v63  }
0x2c: {  	s29 =	sadd.s32 $0x0, s16  }
0x2d: {  	[tilespmem:s25], [sflag:$0x3] =	stream.linear.gather [hbm4b:s29+s4], $0x50, $0x38;
	[tilespmem:$0x16A00] =	vst v63  }
0x2e: {  	_ =	swait.ge [sflag:s19], $0x50  }
0x2f: {  	[sflag:s19] =	ssyncset.done $0x0  }
0x30: {  	[sflag:s19] =	ssyncadd.s32 $0xFFFFFFB0  }
0x31: {  	_ =	swait.ge [sflag:s26], $0x2800  }
0x32: {  	[sflag:s26] =	ssyncset.done $0x0  }
0x33: {  	s29 =	sshrl.u32 s15, $0x3;
	[sflag:s26] =	ssyncadd.s32 $0xFFFFD800  }
0x34: {  	[tilespmem:s22], [sflag:$0x1] =	stream.indirect.gather [hbm4b:s1+s21], $0x80, s23, s21, $0xb8;
	[tilespmem:$0x16A00] =	vst v63  }
0x35: {  	s30 =	sadd.s32 s5, s29  }
0x36: {  	[tilespmem:s4], [sflag:$0x3] =	stream.linear.gather [hbm4b:s30+s4], $0x50, $0x38;
	[tilespmem:$0x16A00] =	vst v63  }
0x37: {  	_ =	swait.ge [sflag:s19], $0x50  }
0x38: {  	[sflag:s19] =	ssyncset.done $0x0  }
0x39: {  	[sflag:s19] =	ssyncadd.s32 $0xFFFFFFB0  }
0x3a: {  	_ =	swait.ge [sflag:s24], $0x2800  }
0x3b: {  	[sflag:s24] =	ssyncset.done $0x0  }
0x3c: {  	[sflag:s24] =	ssyncadd.s32 $0xFFFFD800  }
0x3d: {  	[spmem:s2] =	stream.indirect.scatter.add.f32 [tilespmem:s22], [sflag:$0x2], $0x80, s25, s21, $0xb8;
	[tilespmem:$0x16A00] =	vst v63  }
0x3e: {  	s29 =	sadd.s32 s6, s29  }
0x3f: {  	[tilespmem:s20], [sflag:$0x3] =	stream.linear.gather [hbm4b:s29+s4], $0x50, $0x38;
	[tilespmem:$0x16A00] =	vst v63  }
0x40: {  	_ =	swait.ge [sflag:s19], $0x50  }
0x41: {  	[sflag:s19] =	ssyncset.done $0x0  }
0x42: {  	[sflag:s19] =	ssyncadd.s32 $0xFFFFFFB0  }
0x43: {  	_ =	swait.ge [sflag:s26], $0x2800  }
0x44: {  	s30 =	smov.u32 s15;
	s29 =	simm.s32 $0x14;
	[sflag:s26] =	ssyncset.done $0x0  }
.LBB2_2:
0x45: {  	p0 =	sne.s32 s29, $0x4C4;
	[sflag:s26] =	ssyncadd.s32 $0xFFFFD800;
	s30 =	sadd.s32 $0xA0, s30  }
0x46: {  	[tilespmem:s22], [sflag:$0x1] =	stream.indirect.gather [hbm4b:s1+s21], $0x80, s4, s21, $0xb8;
	[tilespmem:$0x16A00] =	vst v63  }
0x47: {  	s31 =	sadd.s32 s29, s17;
	s0 =	smov.u32 s29;
	s29 =	sadd.s32 $0x14, s29  }
0x48: {  	[tilespmem:s23], [sflag:$0x3] =	stream.linear.gather [hbm4b:s31+s4], $0x50, $0x38;
	[tilespmem:$0x16A00] =	vst v63  }
0x49: {  	_ =	swait.ge [sflag:s19], $0x50  }
0x4a: {  	[sflag:s19] =	ssyncset.done $0x0  }
0x4b: {  	[sflag:s19] =	ssyncadd.s32 $0xFFFFFFB0  }
0x4c: {  	_ =	swait.ge [sflag:s24], $0x2800  }
0x4d: {  	[sflag:s24] =	ssyncset.done $0x0  }
0x4e: {  	[sflag:s24] =	ssyncadd.s32 $0xFFFFD800  }
0x4f: {  	[spmem:s2] =	stream.indirect.scatter.add.f32 [tilespmem:s22], [sflag:$0x2], $0x80, s20, s21, $0xb8;
	[tilespmem:$0x16A00] =	vst v63  }
0x50: {  	s0 =	sadd.s32 s0, s16  }
0x51: {  	[tilespmem:s25], [sflag:$0x3] =	stream.linear.gather [hbm4b:s0+s4], $0x50, $0x38;
	[tilespmem:$0x16A00] =	vst v63  }
0x52: {  	_ =	swait.ge [sflag:s19], $0x50  }
0x53: {  	[sflag:s19] =	ssyncset.done $0x0  }
0x54: {  	[sflag:s19] =	ssyncadd.s32 $0xFFFFFFB0  }
0x55: {  	_ =	swait.ge [sflag:s26], $0x2800  }
0x56: {  	[sflag:s26] =	ssyncset.done $0x0  }
0x57: {  	s0 =	sshrl.u32 s30, $0x3;
	[sflag:s26] =	ssyncadd.s32 $0xFFFFD800  }
0x58: {  	[tilespmem:s22], [sflag:$0x1] =	stream.indirect.gather [hbm4b:s1+s21], $0x80, s23, s21, $0xb8;
	[tilespmem:$0x16A00] =	vst v63  }
0x59: {  	s31 =	sadd.s32 s5, s0  }
0x5a: {  	[tilespmem:s4], [sflag:$0x3] =	stream.linear.gather [hbm4b:s31+s4], $0x50, $0x38;
	[tilespmem:$0x16A00] =	vst v63  }
0x5b: {  	_ =	swait.ge [sflag:s19], $0x50  }
0x5c: {  	[sflag:s19] =	ssyncset.done $0x0  }
0x5d: {  	[sflag:s19] =	ssyncadd.s32 $0xFFFFFFB0  }
0x5e: {  	_ =	swait.ge [sflag:s24], $0x2800  }
0x5f: {  	[sflag:s24] =	ssyncset.done $0x0  }
0x60: {  	[sflag:s24] =	ssyncadd.s32 $0xFFFFD800  }
0x61: {  	[spmem:s2] =	stream.indirect.scatter.add.f32 [tilespmem:s22], [sflag:$0x2], $0x80, s25, s21, $0xb8;
	[tilespmem:$0x16A00] =	vst v63  }
0x62: {  	s0 =	sadd.s32 s6, s0  }
0x63: {  	[tilespmem:s20], [sflag:$0x3] =	stream.linear.gather [hbm4b:s0+s4], $0x50, $0x38;
	[tilespmem:$0x16A00] =	vst v63  }
.Ltmp0:
0x64: {  	_ =	swait.ge [sflag:s19], $0x50;
	(pc) =	sbr.rel @p0 .LBB2_2-.Ltmp0, $4  }
0x65: {  	[sflag:s19] =	ssyncset.done $0x0  }
0x66: {  	[sflag:s19] =	ssyncadd.s32 $0xFFFFFFB0  }
0x67: {  	_ =	swait.ge [sflag:s26], $0x2800  }
0x68: {  	[sflag:s26] =	ssyncset.done $0x0  }
0x69: {  	[sflag:s26] =	ssyncadd.s32 $0xFFFFD800  }
0x6a: {  	[tilespmem:s22], [sflag:$0x1] =	stream.indirect.gather [hbm4b:s1+s21], $0x80, s4, s21, $0xb8;
	[tilespmem:$0x16A00] =	vst v63  }
0x6b: {  	_ = 	snop  }
0x6c: {  	[tilespmem:s23], [sflag:$0x3] =	stream.linear.gather [hbm4b:s11+s4], $0x50, $0x38;
	[tilespmem:$0x16A00] =	vst v63  }
0x6d: {  	_ =	swait.ge [sflag:s19], $0x50  }
0x6e: {  	[sflag:s19] =	ssyncset.done $0x0  }
0x6f: {  	[sflag:s19] =	ssyncadd.s32 $0xFFFFFFB0  }
0x70: {  	_ =	swait.ge [sflag:s24], $0x2800  }
0x71: {  	[sflag:s24] =	ssyncset.done $0x0  }
0x72: {  	[sflag:s24] =	ssyncadd.s32 $0xFFFFD800  }
0x73: {  	[spmem:s2] =	stream.indirect.scatter.add.f32 [tilespmem:s22], [sflag:$0x2], $0x80, s20, s21, $0xb8;
	[tilespmem:$0x16A00] =	vst v63  }
0x74: {  	_ = 	snop  }
0x75: {  	[tilespmem:s25], [sflag:$0x3] =	stream.linear.gather [hbm4b:s12+s4], $0x50, $0x38;
	[tilespmem:$0x16A00] =	vst v63  }
0x76: {  	_ =	swait.ge [sflag:s19], $0x50  }
0x77: {  	[sflag:s19] =	ssyncset.done $0x0  }
0x78: {  	[sflag:s19] =	ssyncadd.s32 $0xFFFFFFB0  }
0x79: {  	_ =	swait.ge [sflag:s26], $0x2800  }
0x7a: {  	s28 =	sadd.s32 $0x1, s28;
	[sflag:s26] =	ssyncset.done $0x0  }
0x7b: {  	p0 =	sne.s32 s28, s14;
	[sflag:s26] =	ssyncadd.s32 $0xFFFFD800  }
.Ltmp1:
0x7c: {  	[bflag:$0x0] =	sbarrier.arrive $0xFFFF;
	(pc) =	sbr.rel @p0 .LBB2_1-.Ltmp1, $4  }
0x7d: {  	[hbm:s13], [sflag:s8] =	dma.local [spmem:s18], $0x2800  }
0x7e: {  	_ =	swait.ge [sflag:s19], $0x2800  }
0x7f: {  	[sflag:s19] =	ssyncset.done $0x0  }
0x80: {  	[sflag:s19] =	ssyncadd.s32 $0xFFFFD800  }
0x81: {  	_ =	sfence.sel $0x180000  }
0x82: {  	[bflag:$0x0] =	sbarrier.arrive $0xFFFF  }
0x83: {  	_ =	strace $0x9000004A  }
0x84: {  	[bflag:$0x2] =	sbarrier.arrive $0xFFFF  }
0x85: {  	p0 =	sne.s32 s3, $0x0;
	s0 =	rddreg [dreg:$0x3]  }
0x86: {  	s0 =	sadd.s32 @!p0 $0x100000, s0  }
0x87: {  	[sflag:s0] =	ssyncadd.tile.s32 @!p0 $0x1;
	_ =	shalt  }
.Lfunc_end2:
_tile_overlayer_lowered:
.L_overlay_start_2:
0x88: {  	(tag) =	ssettag $0x2  }
0x89: {  	s0 =	rddreg [dreg:$0x0];
	s2 =	stileid.u32  }
0x8a: {  	s1 =	rddreg [dreg:$0x1];
	p0 =	sne.s32 s2, $0x0  }
0x8b: {  	s3 =	rddreg [dreg:$0x2];
	[bflag:$0x3] =	sbarrier.arrive $0xFFFF;
	s2 =	simm.s32 @!p0 $0x1C03  }
0x8c: {  	[timem:s3], [sflag:s2] =	dma.local @!p0 [hbm:s0], s1  }
0x8d: {  	s0 =	simm.s32 @!p0 $0x3  }
0x8e: {  	_ =	swait.ge @!p0 [sflag:s0], s1  }
0x8f: {  	s1 =	ssub.s32 @!p0 $0x0, s1;
	[sflag:s0] =	ssyncset.done @!p0 $0x0  }
0x90: {  	[sflag:s0] =	ssyncadd.s32 @!p0 s1  }
0x91: {  	[bflag:$0x3] =	sbarrier.arrive $0xFFFF  }
0x92: {  	_ =	shalt  }

// kernel: kernel.15.cloned.1.call-start
scs
__scs_entry_jumppad:
0x0: {  	(pc) =	sbr.rel $0x88, $3  }
0x1: {  	(tag) =	ssettag $0x0;
	lr =	simm.s32 $0x1  }
0x2: {  	[smem:$0x3F96] =	sst lr;
	_ =	strace $0xD0000000  }
0x3: {  	_ = 	snop  }
0x4: {  	_ = 	snop  }
0x5: {  	_ = 	snop  }
0x6: {  	_ = 	snop  }
0x7: {  	_ = 	snop  }
__scs_overlays_trampoline_lowered:
0x8: {  	[smem:$0x3FA5] =	sst s0  }
0x9: {  	[smem:$0x3FA6] =	sst s1  }
0xa: {  	[smem:$0x3FA7] =	sst s2  }
0xb: {  	[smem:$0x3FA8] =	sst s3  }
0xc: {  	[smem:$0x3FA9] =	sst s4  }
0xd: {  	[smem:$0x3FAA] =	sst s5  }
0xe: {  	[smem:$0x3FAB] =	sst s6  }
0xf: {  	[smem:$0x3FAC] =	sst s7  }
0x10: {  	[smem:$0x3FAD] =	sst s8  }
0x11: {  	[smem:$0x3FAE] =	sst s9;
	s0 =	simm.s32 @!p0 $0x0  }
0x12: {  	s1 =	sld [smem:$0x3F94];
	s0 =	simm.s32 @p0 $0x1  }
0x13: {  	[smem:$0x3FAF] =	sst s0;
	s0 =	simm.s32 @!p1 $0x0  }
0x14: {  	s2 =	sld [smem:$0x3F93];
	s0 =	simm.s32 @p1 $0x1  }
0x15: {  	[smem:$0x3FB0] =	sst s0;
	s0 =	simm.s32 @!p2 $0x0  }
0x16: {  	s3 =	sld [smem:$0x3FDB];
	s0 =	simm.s32 @p2 $0x1  }
0x17: {  	s4 =	simm.s32 $0x1BF5;
	[smem:$0x3FB2] =	sst s0  }
0x18: {  	s0 =	sld [smem:$0x3F95];
	_ =	swait.ge [sflag:s4], $0x0  }
0x19: {  	s7 =	sld [smem:$0x3F96]  }
0x1a: {  	s8 =	sadd.s32 $0xFFFFE003, lr  }
0x1b: {  	s9 =	sadd.s32 $0xFFFFFEF7, lr;
	s5 =	simm.s32 $0xFFFFFFFF;
	p2 =	slt.u32 s8, $0xFFFFF086  }
0x1c: {  	p1 =	slt.u32 s9, $0xF7A;
	s5 =	simm.s32 @!p2 $0x0  }
0x1d: {  	s5 =	simm.s32 @p1 $0x1;
	p0 =	seq.s32 s7, s2  }
0x1e: {  	s7 =	smul.u32 @!p0 $0xF7A, s2;
	p2 =	seq.s32 @!p0 s5, $0x0  }
0x1f: {  	s9 =	smul.u32 $0xF7A, s1;
	s8 =	simm.s32 @!p0 $0x1BF5;
	p2 =	por !p2, p0  }
0x20: {  	[sflag:s8] =	ssyncset.s32 @!p0 $0xFFFFF086;
	s6 =	sadd.s32 @!p0 s3, s7;
	s7 =	simm.s32 @!p0 $0x108  }
0x21: {  	s3 =	sadd.s32 s3, s9;
	s6 =	sadd.s32 @!p0 $0x88, s6;
	s7 =	simm.s32 @p2 $0x1082  }
0x22: {  	[simem:s7], [sflag:s8] =	dma.local @!p0 [hbm:s6], $0xF7A  }
0x23: {  	s9 =	sor.u32 $0xD0000000, s2;
	s6 =	simm.s32 $0x108;
	_ =	swait.ge @!p0 [sflag:s8], $0x0  }
0x24: {  	s3 =	sadd.s32 $0x88, s3;
	s6 =	simm.s32 @!p1 $0x1082;
	[sflag:s4] =	ssyncset.s32 $0xFFFFF086  }
0x25: {  	[simem:s6], [sflag:s4] =	dma.local [hbm:s3], $0xF7A  }
0x26: {  	[smem:$0x3F96] =	sst s1;
	(tag) =	ssettag s2;
	_ =	strace s9  }
0x27: {  	s1 =	sld [smem:$0x3FA6]  }
0x28: {  	s2 =	sld [smem:$0x3FA7]  }
0x29: {  	s4 =	sld [smem:$0x3FA9]  }
0x2a: {  	p0 =	seq.s32 s5, $0x0;
	s5 =	sld [smem:$0x3FAA]  }
0x2b: {  	s6 =	sld [smem:$0x3FAB]  }
0x2c: {  	s7 =	sld [smem:$0x3FAC]  }
0x2d: {  	s3 =	simm.s32 $0x108;
	s8 =	sld [smem:$0x3FAD]  }
0x2e: {  	s3 =	simm.s32 @!p0 $0x1082;
	s9 =	sld [smem:$0x3FAE]  }
0x2f: {  	lr =	sadd.s32 s0, s3;
	s0 =	sld [smem:$0x3FA5]  }
0x30: {  	s3 =	sld [smem:$0x3FA8]  }
0x31: {  	[smem:$0x3FB1] =	sst s10  }
0x32: {  	s10 =	sld [smem:$0x3FAF];
	_ =	sdelay $0x3  }
0x33: {  	p0 =	seq.s32 s10, $0x1;
	s10 =	sld [smem:$0x3FB1];
	_ =	sdelay $0x3  }
0x34: {  	[smem:$0x3FB1] =	sst s10  }
0x35: {  	s10 =	sld [smem:$0x3FB0];
	_ =	sdelay $0x3  }
0x36: {  	p1 =	seq.s32 s10, $0x1;
	s10 =	sld [smem:$0x3FB1];
	_ =	sdelay $0x3  }
0x37: {  	[smem:$0x3FB1] =	sst s10  }
0x38: {  	s10 =	sld [smem:$0x3FB2]  }
0x39: {  	_ = 	snop;
	(pc) =	sbr.ind lr, $3  }
0x3a: {  	_ = 	snop  }
0x3b: {  	_ = 	snop  }
0x3c: {  	p2 =	seq.s32 s10, $0x1;
	s10 =	sld [smem:$0x3FB1]  }
0x3d: {  	_ =	shalt  }
0x3e: {  	_ =	shalt  }
0x3f: {  	_ =	shalt  }
0x40: {  	_ =	shalt  }
0x41: {  	_ =	shalt  }
0x42: {  	_ =	shalt  }
0x43: {  	_ =	shalt  }
0x44: {  	_ =	shalt  }
0x45: {  	_ =	shalt  }
0x46: {  	_ =	shalt  }
0x47: {  	_ =	shalt  }
0x48: {  	_ =	shalt  }
0x49: {  	_ =	shalt  }
0x4a: {  	_ =	shalt  }
0x4b: {  	_ =	shalt  }
0x4c: {  	_ =	shalt  }
0x4d: {  	_ =	shalt  }
0x4e: {  	_ =	shalt  }
0x4f: {  	_ =	shalt  }
0x50: {  	_ =	shalt  }
0x51: {  	_ =	shalt  }
0x52: {  	_ =	shalt  }
0x53: {  	_ =	shalt  }
0x54: {  	_ =	shalt  }
0x55: {  	_ =	shalt  }
0x56: {  	_ =	shalt  }
0x57: {  	_ =	shalt  }
0x58: {  	_ =	shalt  }
0x59: {  	_ =	shalt  }
0x5a: {  	_ =	shalt  }
0x5b: {  	_ =	shalt  }
0x5c: {  	_ =	shalt  }
0x5d: {  	_ =	shalt  }
0x5e: {  	_ =	shalt  }
0x5f: {  	_ =	shalt  }
0x60: {  	_ =	shalt  }
0x61: {  	_ =	shalt  }
0x62: {  	_ =	shalt  }
0x63: {  	_ =	shalt  }
0x64: {  	_ =	shalt  }
0x65: {  	_ =	shalt  }
0x66: {  	_ =	shalt  }
0x67: {  	_ =	shalt  }
0x68: {  	_ =	shalt  }
0x69: {  	_ =	shalt  }
0x6a: {  	_ =	shalt  }
0x6b: {  	_ =	shalt  }
0x6c: {  	_ =	shalt  }
0x6d: {  	_ =	shalt  }
0x6e: {  	_ =	shalt  }
0x6f: {  	_ =	shalt  }
0x70: {  	_ =	shalt  }
0x71: {  	_ =	shalt  }
0x72: {  	_ =	shalt  }
0x73: {  	_ =	shalt  }
0x74: {  	_ =	shalt  }
0x75: {  	_ =	shalt  }
0x76: {  	_ =	shalt  }
0x77: {  	_ =	shalt  }
0x78: {  	_ =	shalt  }
0x79: {  	_ =	shalt  }
0x7a: {  	_ =	shalt  }
0x7b: {  	_ =	shalt  }
0x7c: {  	_ =	shalt  }
0x7d: {  	_ =	shalt  }
0x7e: {  	_ =	shalt  }
0x7f: {  	_ =	shalt  }
0x80: {  	_ =	shalt  }
0x81: {  	_ =	shalt  }
0x82: {  	_ =	shalt  }
0x83: {  	_ =	shalt  }
0x84: {  	_ =	shalt  }
0x85: {  	_ =	shalt  }
0x86: {  	_ =	shalt  }
0x87: {  	_ =	shalt  }
.Lfunc_end0:
.L_simem_size_0:
called_computation.2_lowered:
.L_overlay_start_0:
0x88: {  	s2 =	sld [smem:$0x3FD9]  }
0x89: {  	s3 =	sld [smem:$0x3FFE];
	_ =	sdelay $0x1  }
0x8a: {  	s1 =	srdreg.scid  }
0x8b: {  	s0 =	sand.u32 $0x1, s1  }
0x8c: {  	s17 =	sshll.u32 s0, $0xA;
	s2 =	sadd.s32 s3, s2  }
0x8d: {  	s2 =	sadd.s32 s2, s17  }
0x8e: {  	[smem:$0x3FBD] =	sst s2  }
0x8f: {  	_ = 	snop  }
0x90: {  	s2 =	sld [smem:$0x3FD0];
	(tm) =	ssettm $0x1  }
0x91: {  	s18 =	sld [smem:$0x3FFB];
	_ =	sdelay $0x3  }
0x92: {  	_ =	strace s18  }
0x93: {  	s3 =	sld [smem:$0x3FFC];
	_ =	sdelay $0x3  }
0x94: {  	_ =	strace s3  }
0x95: {  	s3 =	sld [smem:$0x3FFD];
	_ =	sdelay $0x3  }
0x96: {  	_ =	strace s3  }
0x97: {  	_ =	strace $0x8FFFFFFF  }
0x98: {  	s19 =	sld [smem:$0x3FDB];
	_ =	sdelay $0x1  }
0x99: {  	s4 =	simm.s32 $_scs_section_size  }
0x9a: {  	s5 =	simm.s32 $_size__tile_overlayer_lowered;
	s6 =	simm.s32 $_tile_overlayer_lowered  }
0x9b: {  	s22 =	simm.s32 $0x1BFF;
	s21 =	sshll.u32 s6, $0x1;
	s3 =	sadd.s32 s4, s19  }
0x9c: {  	s7 =	simm.s32 $0x0;
	s20 =	sshll.u32 s5, $0x1;
	s5 =	sadd.s32 s21, s3  }
0x9d: {  	[timem:s7], [sflag:s22] =	dma.local [hbm:s5], s20  }
0x9e: {  	_ =	swait.ge [sflag:s22], s20  }
0x9f: {  	s4 =	ssub.s32 $0x0, s20;
	[sflag:s22] =	ssyncset.done $0x0  }
0xa0: {  	[sflag:s22] =	ssyncadd.s32 s4;
	_ =	sdelay $0x1  }
0xa1: {  	s23 =	simm.s32 $0x1B8B  }
0xa2: {  	_ =	swait.ge [sflag:s23], $0x1  }
0xa3: {  	[sflag:s23] =	ssyncset.done $0x0  }
0xa4: {  	s25 =	simm.s32 $0x1B8E;
	s24 =	sld [smem:$0x3FFE];
	[sflag:s23] =	ssyncadd.s32 $0xFFFFFFFF  }
0xa5: {  	s26 =	simm.s32 $execute0_lowered;
	[smem:$0x3FD2] =	sst s25  }
0xa6: {  	s5 =	sshll.u32 s26, $0x1;
	_ =	strace $0x8000004C;
	[dreg:$0x1] =	wrdreg $0xFFFFFFFF  }
0xa7: {  	s28 =	simm.s32 $_size_execute0_lowered;
	s3 =	sadd.s32 s3, s5;
	[dreg:$0x0] =	wrdreg $0x0  }
0xa8: {  	s5 =	sshll.u32 s28, $0x1;
	[dreg:$0x2] =	wrdreg s3  }
0xa9: {  	[dreg:$0x3] =	wrdreg s5  }
0xaa: {  	[dreg:$0x4] =	wrdreg $0xC0  }
0xab: {  	_ =	task [dreg:s7], $0x5FFFF  }
0xac: {  	[dreg:$0x1] =	wrdreg $0xFFFFFFFF  }
0xad: {  	[dreg:$0x0] =	wrdreg $0x60  }
0xae: {  	[dreg:$0x2] =	wrdreg s2  }
0xaf: {  	[dreg:$0x3] =	wrdreg s24  }
0xb0: {  	[dreg:$0x4] =	wrdreg $0x2A000  }
0xb1: {  	[dreg:$0x5] =	wrdreg $0x9  }
0xb2: {  	_ =	task.clear_ibuf [dreg:s7], $0x6FFFF;
	_ =	strace $0x9000004C  }
0xb3: {  	s29 =	simm.s32 $0x9;
	_ =	strace $0x8000004E  }
0xb4: {  	_ =	swait.ge [sflag:s29], $0x1  }
0xb5: {  	[sflag:s29] =	ssyncadd.s32 $0xFFFFFFFF  }
0xb6: {  	_ =	strace $0x9000004E  }
0xb7: {  	_ =	sfence  }
0xb8: {  	s30 =	sld [smem:$0x0];
	_ =	sdelay $0x2  }
0xb9: {  	s31 =	sshll.u32 s1, $0xD;
	s1 =	sshrl.u32 s1, $0x2  }
0xba: {  	s3 =	sand.u32 $0x4000, s31;
	s1 =	sadd.s32 s1, s30  }
0xbb: {  	s0 =	sor.u32 s3, s0;
	s1 =	sshll.u32 s1, $0x11  }
0xbc: {  	s0 =	sor.u32 s1, s0  }
0xbd: {  	s0 =	sadd.s32 $0x8F2B, s0  }
0xbe: {  	[sflag:s0] =	ssyncadd.remote.s32 $0x1  }
0xbf: {  	_ =	sfence.sel $0xFFFF  }
0xc0: {  	[dreg:$0x0] =	wrdreg $0xFFFFFFFF;
	(pc) =	sbr.abs _section_cstart, $3  }
0xc1: {  	[dreg:$0x1] =	wrdreg $0xFFFFFFFF  }
0xc2: {  	_ =	task.clear_ibuf [dreg:s7], $0x2FFFF;
	_ =	strace $0x9FFFFFFF  }
0xc3: {  	(tm) =	ssettm $0x7FFFFFFF  }
tec
execute0_lowered:
.L_overlay_start_1:
0x0: {  	(tag) =	ssettag $0x1  }
0x1: {  	s1 =	rddreg [dreg:$0x0]  }
0x2: {  	s8 =	rddreg [dreg:$0x1]  }
0x3: {  	s2 =	rddreg [dreg:$0x2]  }
0x4: {  	s3 =	srdreg.scid;
	s4 =	simm.s32 $0x0;
	s19 =	simm.s32 $0x3  }
0x5: {  	s20 =	simm.s32 $0x80;
	s21 =	simm.s32 $0x50;
	s22 =	simm.s32 $0x200  }
0x6: {  	s28 =	simm.s32 $0x0;
	s9 =	sand.u32 $0x1, s3;
	s3 =	stileid.u32  }
0x7: {  	[smem:$0x7FF] =	sst s4;
	s5 =	sadd.s32 $0xC400, s8;
	s10 =	smul.u32 $0x140000, s9  }
0x8: {  	s6 =	sadd.s32 $0x2600, s8;
	s7 =	sadd.s32 $0x16200, s8;
	s11 =	smul.u32 $0x14000, s3  }
0x9: {  	_ =	strace $0x8000004D;
	s23 =	sshll.u32 s3, $0x1;
	s12 =	smul.u32 $0x50000, s3  }
0xa: {  	s24 =	ssub.s32 $0x2, s9;
	s29 =	smul.u32 $0x4E20, s3;
	s30 =	sshll.u32 s3, $0x6  }
0xb: {  	s15 =	smul.u32 $0x2710, s9;
	s25 =	sor.u32 s9, s23;
	s26 =	sshrl.u32 s24, $0x1  }
0xc: {  	s23 =	simm.s32 $0x100;
	s10 =	sadd.s32 s11, s10;
	s12 =	sshrl.u32 s12, $0x2  }
0xd: {  	s14 =	ssub.s32 s24, s26;
	s15 =	sadd.s32 s15, s29;
	s24 =	simm.s32 $0x1  }
0xe: {  	s26 =	simm.s32 $0x2;
	s10 =	sshrl.u32 s10, $0x3;
	s18 =	sadd.s32 s12, s2  }
0xf: {  	s31 =	sadd.s32 $0x50, s15;
	s13 =	sadd.s32 s10, s8;
	s10 =	smul.u32 $0x2710, s25  }
0x10: {  	s14 =	smax.u32 s14, $0x1;
	s15 =	sadd.s32 $0xA0, s15;
	s8 =	sor.u32 $0x1C03, s30  }
0x11: {  	s17 =	sshrl.u32 s31, $0x3;
	s18 =	sshrl.u32 s18, $0x3;
	s10 =	sshrl.u32 s10, $0x3  }
0x12: {  	s25 =	simm.s32 $0x180;
	s13 =	sadd.s32 $0x68A00, s13;
	s16 =	sadd.s32 $0x4D8, s10  }
0x13: {  	s9 =	sadd.s32 s5, s10;
	s10 =	sadd.s32 s6, s10;
	s11 =	sadd.s32 s5, s16  }
0x14: {  	s12 =	sadd.s32 s6, s16;
	s16 =	sadd.s32 s17, s6;
	s17 =	sadd.s32 s17, s5  }
.LBB2_1:
0x15: {  	[spmem:s18], [sflag:s8] =	dma.local [hbm:s7], $0x2800  }
0x16: {  	_ =	swait.ge [sflag:s19], $0x2800  }
0x17: {  	[sflag:s19] =	ssyncset.done $0x0  }
0x18: {  	[sflag:s19] =	ssyncadd.s32 $0xFFFFD800  }
0x19: {  	[bflag:$0x0] =	sbarrier.arrive $0xFFFF  }
0x1a: {  	[tilespmem:s4], [sflag:$0x3] =	stream.linear.gather [hbm4b:s9+s4], $0x50, $0x38;
	[tilespmem:$0x16A00] =	vst v63  }
0x1b: {  	_ =	swait.ge [sflag:s19], $0x50  }
0x1c: {  	[sflag:s19] =	ssyncset.done $0x0  }
0x1d: {  	[sflag:s19] =	ssyncadd.s32 $0xFFFFFFB0  }
0x1e: {  	[tilespmem:s20], [sflag:$0x3] =	stream.linear.gather [hbm4b:s10+s4], $0x50, $0x38;
	[tilespmem:$0x16A00] =	vst v63  }
0x1f: {  	_ =	swait.ge [sflag:s19], $0x50  }
0x20: {  	[sflag:s19] =	ssyncset.done $0x0  }
0x21: {  	[sflag:s19] =	ssyncadd.s32 $0xFFFFFFB0  }
0x22: {  	[tilespmem:s22], [sflag:$0x1] =	stream.indirect.gather [hbm4b:s1+s21], $0x80, s4, s21, $0xb8;
	[tilespmem:$0x16A00] =	vst v63  }
0x23: {  	s29 =	sadd.s32 $0x0, s17  }
0x24: {  	[tilespmem:s23], [sflag:$0x3] =	stream.linear.gather [hbm4b:s29+s4], $0x50, $0x38;
	[tilespmem:$0x16A00] =	vst v63  }
0x25: {  	_ =	swait.ge [sflag:s19], $0x50  }
0x26: {  	[sflag:s19] =	ssyncset.done $0x0  }
0x27: {  	[sflag:s19] =	ssyncadd.s32 $0xFFFFFFB0  }
0x28: {  	_ =	swait.ge [sflag:s24], $0x2800  }
0x29: {  	[sflag:s24] =	ssyncset.done $0x0  }
0x2a: {  	[sflag:s24] =	ssyncadd.s32 $0xFFFFD800  }
0x2b: {  	[spmem:s2] =	stream.indirect.scatter.add.f32 [tilespmem:s22], [sflag:$0x2], $0x80, s20, s21, $0xb8;
	[tilespmem:$0x16A00] =	vst v63  }
0x2c: {  	s29 =	sadd.s32 $0x0, s16  }
0x2d: {  	[tilespmem:s25], [sflag:$0x3] =	stream.linear.gather [hbm4b:s29+s4], $0x50, $0x38;
	[tilespmem:$0x16A00] =	vst v63  }
0x2e: {  	_ =	swait.ge [sflag:s19], $0x50  }
0x2f: {  	[sflag:s19] =	ssyncset.done $0x0  }
0x30: {  	[sflag:s19] =	ssyncadd.s32 $0xFFFFFFB0  }
0x31: {  	_ =	swait.ge [sflag:s26], $0x2800  }
0x32: {  	[sflag:s26] =	ssyncset.done $0x0  }
0x33: {  	s29 =	sshrl.u32 s15, $0x3;
	[sflag:s26] =	ssyncadd.s32 $0xFFFFD800  }
0x34: {  	[tilespmem:s22], [sflag:$0x1] =	stream.indirect.gather [hbm4b:s1+s21], $0x80, s23, s21, $0xb8;
	[tilespmem:$0x16A00] =	vst v63  }
0x35: {  	s30 =	sadd.s32 s5, s29  }
0x36: {  	[tilespmem:s4], [sflag:$0x3] =	stream.linear.gather [hbm4b:s30+s4], $0x50, $0x38;
	[tilespmem:$0x16A00] =	vst v63  }
0x37: {  	_ =	swait.ge [sflag:s19], $0x50  }
0x38: {  	[sflag:s19] =	ssyncset.done $0x0  }
0x39: {  	[sflag:s19] =	ssyncadd.s32 $0xFFFFFFB0  }
0x3a: {  	_ =	swait.ge [sflag:s24], $0x2800  }
0x3b: {  	[sflag:s24] =	ssyncset.done $0x0  }
0x3c: {  	[sflag:s24] =	ssyncadd.s32 $0xFFFFD800  }
0x3d: {  	[spmem:s2] =	stream.indirect.scatter.add.f32 [tilespmem:s22], [sflag:$0x2], $0x80, s25, s21, $0xb8;
	[tilespmem:$0x16A00] =	vst v63  }
0x3e: {  	s29 =	sadd.s32 s6, s29  }
0x3f: {  	[tilespmem:s20], [sflag:$0x3] =	stream.linear.gather [hbm4b:s29+s4], $0x50, $0x38;
	[tilespmem:$0x16A00] =	vst v63  }
0x40: {  	_ =	swait.ge [sflag:s19], $0x50  }
0x41: {  	[sflag:s19] =	ssyncset.done $0x0  }
0x42: {  	[sflag:s19] =	ssyncadd.s32 $0xFFFFFFB0  }
0x43: {  	_ =	swait.ge [sflag:s26], $0x2800  }
0x44: {  	s30 =	smov.u32 s15;
	s29 =	simm.s32 $0x14;
	[sflag:s26] =	ssyncset.done $0x0  }
.LBB2_2:
0x45: {  	p0 =	sne.s32 s29, $0x4C4;
	[sflag:s26] =	ssyncadd.s32 $0xFFFFD800;
	s30 =	sadd.s32 $0xA0, s30  }
0x46: {  	[tilespmem:s22], [sflag:$0x1] =	stream.indirect.gather [hbm4b:s1+s21], $0x80, s4, s21, $0xb8;
	[tilespmem:$0x16A00] =	vst v63  }
0x47: {  	s31 =	sadd.s32 s29, s17;
	s0 =	smov.u32 s29;
	s29 =	sadd.s32 $0x14, s29  }
0x48: {  	[tilespmem:s23], [sflag:$0x3] =	stream.linear.gather [hbm4b:s31+s4], $0x50, $0x38;
	[tilespmem:$0x16A00] =	vst v63  }
0x49: {  	_ =	swait.ge [sflag:s19], $0x50  }
0x4a: {  	[sflag:s19] =	ssyncset.done $0x0  }
0x4b: {  	[sflag:s19] =	ssyncadd.s32 $0xFFFFFFB0  }
0x4c: {  	_ =	swait.ge [sflag:s24], $0x2800  }
0x4d: {  	[sflag:s24] =	ssyncset.done $0x0  }
0x4e: {  	[sflag:s24] =	ssyncadd.s32 $0xFFFFD800  }
0x4f: {  	[spmem:s2] =	stream.indirect.scatter.add.f32 [tilespmem:s22], [sflag:$0x2], $0x80, s20, s21, $0xb8;
	[tilespmem:$0x16A00] =	vst v63  }
0x50: {  	s0 =	sadd.s32 s0, s16  }
0x51: {  	[tilespmem:s25], [sflag:$0x3] =	stream.linear.gather [hbm4b:s0+s4], $0x50, $0x38;
	[tilespmem:$0x16A00] =	vst v63  }
0x52: {  	_ =	swait.ge [sflag:s19], $0x50  }
0x53: {  	[sflag:s19] =	ssyncset.done $0x0  }
0x54: {  	[sflag:s19] =	ssyncadd.s32 $0xFFFFFFB0  }
0x55: {  	_ =	swait.ge [sflag:s26], $0x2800  }
0x56: {  	[sflag:s26] =	ssyncset.done $0x0  }
0x57: {  	s0 =	sshrl.u32 s30, $0x3;
	[sflag:s26] =	ssyncadd.s32 $0xFFFFD800  }
0x58: {  	[tilespmem:s22], [sflag:$0x1] =	stream.indirect.gather [hbm4b:s1+s21], $0x80, s23, s21, $0xb8;
	[tilespmem:$0x16A00] =	vst v63  }
0x59: {  	s31 =	sadd.s32 s5, s0  }
0x5a: {  	[tilespmem:s4], [sflag:$0x3] =	stream.linear.gather [hbm4b:s31+s4], $0x50, $0x38;
	[tilespmem:$0x16A00] =	vst v63  }
0x5b: {  	_ =	swait.ge [sflag:s19], $0x50  }
0x5c: {  	[sflag:s19] =	ssyncset.done $0x0  }
0x5d: {  	[sflag:s19] =	ssyncadd.s32 $0xFFFFFFB0  }
0x5e: {  	_ =	swait.ge [sflag:s24], $0x2800  }
0x5f: {  	[sflag:s24] =	ssyncset.done $0x0  }
0x60: {  	[sflag:s24] =	ssyncadd.s32 $0xFFFFD800  }
0x61: {  	[spmem:s2] =	stream.indirect.scatter.add.f32 [tilespmem:s22], [sflag:$0x2], $0x80, s25, s21, $0xb8;
	[tilespmem:$0x16A00] =	vst v63  }
0x62: {  	s0 =	sadd.s32 s6, s0  }
0x63: {  	[tilespmem:s20], [sflag:$0x3] =	stream.linear.gather [hbm4b:s0+s4], $0x50, $0x38;
	[tilespmem:$0x16A00] =	vst v63  }
.Ltmp0:
0x64: {  	_ =	swait.ge [sflag:s19], $0x50;
	(pc) =	sbr.rel @p0 .LBB2_2-.Ltmp0, $4  }
0x65: {  	[sflag:s19] =	ssyncset.done $0x0  }
0x66: {  	[sflag:s19] =	ssyncadd.s32 $0xFFFFFFB0  }
0x67: {  	_ =	swait.ge [sflag:s26], $0x2800  }
0x68: {  	[sflag:s26] =	ssyncset.done $0x0  }
0x69: {  	[sflag:s26] =	ssyncadd.s32 $0xFFFFD800  }
0x6a: {  	[tilespmem:s22], [sflag:$0x1] =	stream.indirect.gather [hbm4b:s1+s21], $0x80, s4, s21, $0xb8;
	[tilespmem:$0x16A00] =	vst v63  }
0x6b: {  	_ = 	snop  }
0x6c: {  	[tilespmem:s23], [sflag:$0x3] =	stream.linear.gather [hbm4b:s11+s4], $0x50, $0x38;
	[tilespmem:$0x16A00] =	vst v63  }
0x6d: {  	_ =	swait.ge [sflag:s19], $0x50  }
0x6e: {  	[sflag:s19] =	ssyncset.done $0x0  }
0x6f: {  	[sflag:s19] =	ssyncadd.s32 $0xFFFFFFB0  }
0x70: {  	_ =	swait.ge [sflag:s24], $0x2800  }
0x71: {  	[sflag:s24] =	ssyncset.done $0x0  }
0x72: {  	[sflag:s24] =	ssyncadd.s32 $0xFFFFD800  }
0x73: {  	[spmem:s2] =	stream.indirect.scatter.add.f32 [tilespmem:s22], [sflag:$0x2], $0x80, s20, s21, $0xb8;
	[tilespmem:$0x16A00] =	vst v63  }
0x74: {  	_ = 	snop  }
0x75: {  	[tilespmem:s25], [sflag:$0x3] =	stream.linear.gather [hbm4b:s12+s4], $0x50, $0x38;
	[tilespmem:$0x16A00] =	vst v63  }
0x76: {  	_ =	swait.ge [sflag:s19], $0x50  }
0x77: {  	[sflag:s19] =	ssyncset.done $0x0  }
0x78: {  	[sflag:s19] =	ssyncadd.s32 $0xFFFFFFB0  }
0x79: {  	_ =	swait.ge [sflag:s26], $0x2800  }
0x7a: {  	s28 =	sadd.s32 $0x1, s28;
	[sflag:s26] =	ssyncset.done $0x0  }
0x7b: {  	p0 =	sne.s32 s28, s14;
	[sflag:s26] =	ssyncadd.s32 $0xFFFFD800  }
.Ltmp1:
0x7c: {  	[bflag:$0x0] =	sbarrier.arrive $0xFFFF;
	(pc) =	sbr.rel @p0 .LBB2_1-.Ltmp1, $4  }
0x7d: {  	[hbm:s13], [sflag:s8] =	dma.local [spmem:s18], $0x2800  }
0x7e: {  	_ =	swait.ge [sflag:s19], $0x2800  }
0x7f: {  	[sflag:s19] =	ssyncset.done $0x0  }
0x80: {  	[sflag:s19] =	ssyncadd.s32 $0xFFFFD800  }
0x81: {  	_ =	sfence.sel $0x180000  }
0x82: {  	[bflag:$0x0] =	sbarrier.arrive $0xFFFF  }
0x83: {  	_ =	strace $0x9000004D  }
0x84: {  	[bflag:$0x2] =	sbarrier.arrive $0xFFFF  }
0x85: {  	p0 =	sne.s32 s3, $0x0;
	s0 =	rddreg [dreg:$0x3]  }
0x86: {  	s0 =	sadd.s32 @!p0 $0x100000, s0  }
0x87: {  	[sflag:s0] =	ssyncadd.tile.s32 @!p0 $0x1;
	_ =	shalt  }
.Lfunc_end2:
_tile_overlayer_lowered:
.L_overlay_start_2:
0x88: {  	(tag) =	ssettag $0x2  }
0x89: {  	s0 =	rddreg [dreg:$0x0];
	s2 =	stileid.u32  }
0x8a: {  	s1 =	rddreg [dreg:$0x1];
	p0 =	sne.s32 s2, $0x0  }
0x8b: {  	s3 =	rddreg [dreg:$0x2];
	[bflag:$0x3] =	sbarrier.arrive $0xFFFF;
	s2 =	simm.s32 @!p0 $0x1C03  }
0x8c: {  	[timem:s3], [sflag:s2] =	dma.local @!p0 [hbm:s0], s1  }
0x8d: {  	s0 =	simm.s32 @!p0 $0x3  }
0x8e: {  	_ =	swait.ge @!p0 [sflag:s0], s1  }
0x8f: {  	s1 =	ssub.s32 @!p0 $0x0, s1;
	[sflag:s0] =	ssyncset.done @!p0 $0x0  }
0x90: {  	[sflag:s0] =	ssyncadd.s32 @!p0 s1  }
0x91: {  	[bflag:$0x3] =	sbarrier.arrive $0xFFFF  }
0x92: {  	_ =	shalt  }

// kernel: kernel.9.cloned.1.call-start
scs
__scs_entry_jumppad:
0x0: {  	(pc) =	sbr.rel $0x88, $3  }
0x1: {  	(tag) =	ssettag $0x0;
	lr =	simm.s32 $0x1  }
0x2: {  	[smem:$0x3F96] =	sst lr;
	_ =	strace $0xD0000000  }
0x3: {  	_ = 	snop  }
0x4: {  	_ = 	snop  }
0x5: {  	_ = 	snop  }
0x6: {  	_ = 	snop  }
0x7: {  	_ = 	snop  }
__scs_overlays_trampoline_lowered:
0x8: {  	[smem:$0x3FA5] =	sst s0  }
0x9: {  	[smem:$0x3FA6] =	sst s1  }
0xa: {  	[smem:$0x3FA7] =	sst s2  }
0xb: {  	[smem:$0x3FA8] =	sst s3  }
0xc: {  	[smem:$0x3FA9] =	sst s4  }
0xd: {  	[smem:$0x3FAA] =	sst s5  }
0xe: {  	[smem:$0x3FAB] =	sst s6  }
0xf: {  	[smem:$0x3FAC] =	sst s7  }
0x10: {  	[smem:$0x3FAD] =	sst s8  }
0x11: {  	[smem:$0x3FAE] =	sst s9;
	s0 =	simm.s32 @!p0 $0x0  }
0x12: {  	s1 =	sld [smem:$0x3F94];
	s0 =	simm.s32 @p0 $0x1  }
0x13: {  	[smem:$0x3FAF] =	sst s0;
	s0 =	simm.s32 @!p1 $0x0  }
0x14: {  	s2 =	sld [smem:$0x3F93];
	s0 =	simm.s32 @p1 $0x1  }
0x15: {  	[smem:$0x3FB0] =	sst s0;
	s0 =	simm.s32 @!p2 $0x0  }
0x16: {  	s3 =	sld [smem:$0x3FDB];
	s0 =	simm.s32 @p2 $0x1  }
0x17: {  	s4 =	simm.s32 $0x1BF5;
	[smem:$0x3FB2] =	sst s0  }
0x18: {  	s0 =	sld [smem:$0x3F95];
	_ =	swait.ge [sflag:s4], $0x0  }
0x19: {  	s7 =	sld [smem:$0x3F96]  }
0x1a: {  	s8 =	sadd.s32 $0xFFFFE003, lr  }
0x1b: {  	s9 =	sadd.s32 $0xFFFFFEF7, lr;
	s5 =	simm.s32 $0xFFFFFFFF;
	p2 =	slt.u32 s8, $0xFFFFF086  }
0x1c: {  	p1 =	slt.u32 s9, $0xF7A;
	s5 =	simm.s32 @!p2 $0x0  }
0x1d: {  	s5 =	simm.s32 @p1 $0x1;
	p0 =	seq.s32 s7, s2  }
0x1e: {  	s7 =	smul.u32 @!p0 $0xF7A, s2;
	p2 =	seq.s32 @!p0 s5, $0x0  }
0x1f: {  	s9 =	smul.u32 $0xF7A, s1;
	s8 =	simm.s32 @!p0 $0x1BF5;
	p2 =	por !p2, p0  }
0x20: {  	[sflag:s8] =	ssyncset.s32 @!p0 $0xFFFFF086;
	s6 =	sadd.s32 @!p0 s3, s7;
	s7 =	simm.s32 @!p0 $0x108  }
0x21: {  	s3 =	sadd.s32 s3, s9;
	s6 =	sadd.s32 @!p0 $0x88, s6;
	s7 =	simm.s32 @p2 $0x1082  }
0x22: {  	[simem:s7], [sflag:s8] =	dma.local @!p0 [hbm:s6], $0xF7A  }
0x23: {  	s9 =	sor.u32 $0xD0000000, s2;
	s6 =	simm.s32 $0x108;
	_ =	swait.ge @!p0 [sflag:s8], $0x0  }
0x24: {  	s3 =	sadd.s32 $0x88, s3;
	s6 =	simm.s32 @!p1 $0x1082;
	[sflag:s4] =	ssyncset.s32 $0xFFFFF086  }
0x25: {  	[simem:s6], [sflag:s4] =	dma.local [hbm:s3], $0xF7A  }
0x26: {  	[smem:$0x3F96] =	sst s1;
	(tag) =	ssettag s2;
	_ =	strace s9  }
0x27: {  	s1 =	sld [smem:$0x3FA6]  }
0x28: {  	s2 =	sld [smem:$0x3FA7]  }
0x29: {  	s4 =	sld [smem:$0x3FA9]  }
0x2a: {  	p0 =	seq.s32 s5, $0x0;
	s5 =	sld [smem:$0x3FAA]  }
0x2b: {  	s6 =	sld [smem:$0x3FAB]  }
0x2c: {  	s7 =	sld [smem:$0x3FAC]  }
0x2d: {  	s3 =	simm.s32 $0x108;
	s8 =	sld [smem:$0x3FAD]  }
0x2e: {  	s3 =	simm.s32 @!p0 $0x1082;
	s9 =	sld [smem:$0x3FAE]  }
0x2f: {  	lr =	sadd.s32 s0, s3;
	s0 =	sld [smem:$0x3FA5]  }
0x30: {  	s3 =	sld [smem:$0x3FA8]  }
0x31: {  	[smem:$0x3FB1] =	sst s10  }
0x32: {  	s10 =	sld [smem:$0x3FAF];
	_ =	sdelay $0x3  }
0x33: {  	p0 =	seq.s32 s10, $0x1;
	s10 =	sld [smem:$0x3FB1];
	_ =	sdelay $0x3  }
0x34: {  	[smem:$0x3FB1] =	sst s10  }
0x35: {  	s10 =	sld [smem:$0x3FB0];
	_ =	sdelay $0x3  }
0x36: {  	p1 =	seq.s32 s10, $0x1;
	s10 =	sld [smem:$0x3FB1];
	_ =	sdelay $0x3  }
0x37: {  	[smem:$0x3FB1] =	sst s10  }
0x38: {  	s10 =	sld [smem:$0x3FB2]  }
0x39: {  	_ = 	snop;
	(pc) =	sbr.ind lr, $3  }
0x3a: {  	_ = 	snop  }
0x3b: {  	_ = 	snop  }
0x3c: {  	p2 =	seq.s32 s10, $0x1;
	s10 =	sld [smem:$0x3FB1]  }
0x3d: {  	_ =	shalt  }
0x3e: {  	_ =	shalt  }
0x3f: {  	_ =	shalt  }
0x40: {  	_ =	shalt  }
0x41: {  	_ =	shalt  }
0x42: {  	_ =	shalt  }
0x43: {  	_ =	shalt  }
0x44: {  	_ =	shalt  }
0x45: {  	_ =	shalt  }
0x46: {  	_ =	shalt  }
0x47: {  	_ =	shalt  }
0x48: {  	_ =	shalt  }
0x49: {  	_ =	shalt  }
0x4a: {  	_ =	shalt  }
0x4b: {  	_ =	shalt  }
0x4c: {  	_ =	shalt  }
0x4d: {  	_ =	shalt  }
0x4e: {  	_ =	shalt  }
0x4f: {  	_ =	shalt  }
0x50: {  	_ =	shalt  }
0x51: {  	_ =	shalt  }
0x52: {  	_ =	shalt  }
0x53: {  	_ =	shalt  }
0x54: {  	_ =	shalt  }
0x55: {  	_ =	shalt  }
0x56: {  	_ =	shalt  }
0x57: {  	_ =	shalt  }
0x58: {  	_ =	shalt  }
0x59: {  	_ =	shalt  }
0x5a: {  	_ =	shalt  }
0x5b: {  	_ =	shalt  }
0x5c: {  	_ =	shalt  }
0x5d: {  	_ =	shalt  }
0x5e: {  	_ =	shalt  }
0x5f: {  	_ =	shalt  }
0x60: {  	_ =	shalt  }
0x61: {  	_ =	shalt  }
0x62: {  	_ =	shalt  }
0x63: {  	_ =	shalt  }
0x64: {  	_ =	shalt  }
0x65: {  	_ =	shalt  }
0x66: {  	_ =	shalt  }
0x67: {  	_ =	shalt  }
0x68: {  	_ =	shalt  }
0x69: {  	_ =	shalt  }
0x6a: {  	_ =	shalt  }
0x6b: {  	_ =	shalt  }
0x6c: {  	_ =	shalt  }
0x6d: {  	_ =	shalt  }
0x6e: {  	_ =	shalt  }
0x6f: {  	_ =	shalt  }
0x70: {  	_ =	shalt  }
0x71: {  	_ =	shalt  }
0x72: {  	_ =	shalt  }
0x73: {  	_ =	shalt  }
0x74: {  	_ =	shalt  }
0x75: {  	_ =	shalt  }
0x76: {  	_ =	shalt  }
0x77: {  	_ =	shalt  }
0x78: {  	_ =	shalt  }
0x79: {  	_ =	shalt  }
0x7a: {  	_ =	shalt  }
0x7b: {  	_ =	shalt  }
0x7c: {  	_ =	shalt  }
0x7d: {  	_ =	shalt  }
0x7e: {  	_ =	shalt  }
0x7f: {  	_ =	shalt  }
0x80: {  	_ =	shalt  }
0x81: {  	_ =	shalt  }
0x82: {  	_ =	shalt  }
0x83: {  	_ =	shalt  }
0x84: {  	_ =	shalt  }
0x85: {  	_ =	shalt  }
0x86: {  	_ =	shalt  }
0x87: {  	_ =	shalt  }
.Lfunc_end0:
.L_simem_size_0:
called_computation_lowered:
.L_overlay_start_0:
0x88: {  	s2 =	sld [smem:$0x3FD9]  }
0x89: {  	s3 =	sld [smem:$0x3FFE];
	_ =	sdelay $0x1  }
0x8a: {  	s1 =	srdreg.scid  }
0x8b: {  	s0 =	sand.u32 $0x1, s1  }
0x8c: {  	s17 =	sshll.u32 s0, $0xA;
	s2 =	sadd.s32 s3, s2  }
0x8d: {  	s2 =	sadd.s32 s2, s17  }
0x8e: {  	[smem:$0x3FBD] =	sst s2  }
0x8f: {  	_ = 	snop  }
0x90: {  	s2 =	sld [smem:$0x3FD0];
	(tm) =	ssettm $0x1  }
0x91: {  	s18 =	sld [smem:$0x3FFB];
	_ =	sdelay $0x3  }
0x92: {  	_ =	strace s18  }
0x93: {  	s3 =	sld [smem:$0x3FFC];
	_ =	sdelay $0x3  }
0x94: {  	_ =	strace s3  }
0x95: {  	s3 =	sld [smem:$0x3FFD];
	_ =	sdelay $0x3  }
0x96: {  	_ =	strace s3  }
0x97: {  	_ =	strace $0x8FFFFFFF  }
0x98: {  	s19 =	sld [smem:$0x3FDB];
	_ =	sdelay $0x1  }
0x99: {  	s4 =	simm.s32 $_scs_section_size  }
0x9a: {  	s5 =	simm.s32 $_size__tile_overlayer_lowered;
	s6 =	simm.s32 $_tile_overlayer_lowered  }
0x9b: {  	s22 =	simm.s32 $0x1BFF;
	s21 =	sshll.u32 s6, $0x1;
	s3 =	sadd.s32 s4, s19  }
0x9c: {  	s7 =	simm.s32 $0x0;
	s20 =	sshll.u32 s5, $0x1;
	s5 =	sadd.s32 s21, s3  }
0x9d: {  	[timem:s7], [sflag:s22] =	dma.local [hbm:s5], s20  }
0x9e: {  	_ =	swait.ge [sflag:s22], s20  }
0x9f: {  	s4 =	ssub.s32 $0x0, s20;
	[sflag:s22] =	ssyncset.done $0x0  }
0xa0: {  	[sflag:s22] =	ssyncadd.s32 s4;
	_ =	sdelay $0x1  }
0xa1: {  	s23 =	simm.s32 $0x1B8B  }
0xa2: {  	_ =	swait.ge [sflag:s23], $0x1  }
0xa3: {  	[sflag:s23] =	ssyncset.done $0x0  }
0xa4: {  	s25 =	simm.s32 $0x1B8E;
	s24 =	sld [smem:$0x3FFE];
	[sflag:s23] =	ssyncadd.s32 $0xFFFFFFFF  }
0xa5: {  	s26 =	simm.s32 $execute0_lowered;
	[smem:$0x3FD2] =	sst s25  }
0xa6: {  	s5 =	sshll.u32 s26, $0x1;
	_ =	strace $0x80000046;
	[dreg:$0x1] =	wrdreg $0xFFFFFFFF  }
0xa7: {  	s28 =	simm.s32 $_size_execute0_lowered;
	s3 =	sadd.s32 s3, s5;
	[dreg:$0x0] =	wrdreg $0x0  }
0xa8: {  	s5 =	sshll.u32 s28, $0x1;
	[dreg:$0x2] =	wrdreg s3  }
0xa9: {  	[dreg:$0x3] =	wrdreg s5  }
0xaa: {  	[dreg:$0x4] =	wrdreg $0xC0  }
0xab: {  	_ =	task [dreg:s7], $0x5FFFF  }
0xac: {  	[dreg:$0x1] =	wrdreg $0xFFFFFFFF  }
0xad: {  	[dreg:$0x0] =	wrdreg $0x60  }
0xae: {  	[dreg:$0x2] =	wrdreg s2  }
0xaf: {  	[dreg:$0x3] =	wrdreg s24  }
0xb0: {  	[dreg:$0x4] =	wrdreg $0x2A000  }
0xb1: {  	[dreg:$0x5] =	wrdreg $0x9  }
0xb2: {  	_ =	task.clear_ibuf [dreg:s7], $0x6FFFF;
	_ =	strace $0x90000046  }
0xb3: {  	s29 =	simm.s32 $0x9;
	_ =	strace $0x80000048  }
0xb4: {  	_ =	swait.ge [sflag:s29], $0x1  }
0xb5: {  	[sflag:s29] =	ssyncadd.s32 $0xFFFFFFFF  }
0xb6: {  	_ =	strace $0x90000048  }
0xb7: {  	_ =	sfence  }
0xb8: {  	s30 =	sld [smem:$0x0];
	_ =	sdelay $0x2  }
0xb9: {  	s31 =	sshll.u32 s1, $0xD;
	s1 =	sshrl.u32 s1, $0x2  }
0xba: {  	s3 =	sand.u32 $0x4000, s31;
	s1 =	sadd.s32 s1, s30  }
0xbb: {  	s0 =	sor.u32 s3, s0;
	s1 =	sshll.u32 s1, $0x11  }
0xbc: {  	s0 =	sor.u32 s1, s0  }
0xbd: {  	s0 =	sadd.s32 $0x8F2B, s0  }
0xbe: {  	[sflag:s0] =	ssyncadd.remote.s32 $0x1  }
0xbf: {  	_ =	sfence.sel $0xFFFF  }
0xc0: {  	[dreg:$0x0] =	wrdreg $0xFFFFFFFF;
	(pc) =	sbr.abs _section_cstart, $3  }
0xc1: {  	[dreg:$0x1] =	wrdreg $0xFFFFFFFF  }
0xc2: {  	_ =	task.clear_ibuf [dreg:s7], $0x2FFFF;
	_ =	strace $0x9FFFFFFF  }
0xc3: {  	(tm) =	ssettm $0x7FFFFFFF  }
tec
execute0_lowered:
.L_overlay_start_1:
0x0: {  	(tag) =	ssettag $0x1  }
0x1: {  	s1 =	rddreg [dreg:$0x0]  }
0x2: {  	s8 =	rddreg [dreg:$0x1]  }
0x3: {  	s2 =	rddreg [dreg:$0x2]  }
0x4: {  	s3 =	srdreg.scid;
	s4 =	simm.s32 $0x0;
	s19 =	simm.s32 $0x3  }
0x5: {  	s20 =	simm.s32 $0x80;
	s21 =	simm.s32 $0x50;
	s22 =	simm.s32 $0x200  }
0x6: {  	s28 =	simm.s32 $0x0;
	s9 =	sand.u32 $0x1, s3;
	s3 =	stileid.u32  }
0x7: {  	[smem:$0x7FF] =	sst s4;
	s5 =	sadd.s32 $0xC400, s8;
	s10 =	smul.u32 $0x140000, s9  }
0x8: {  	s6 =	sadd.s32 $0x2600, s8;
	s7 =	sadd.s32 $0x16200, s8;
	s11 =	smul.u32 $0x14000, s3  }
0x9: {  	_ =	strace $0x80000047;
	s23 =	sshll.u32 s3, $0x1;
	s12 =	smul.u32 $0x50000, s3  }
0xa: {  	s24 =	ssub.s32 $0x2, s9;
	s29 =	smul.u32 $0x4E20, s3;
	s30 =	sshll.u32 s3, $0x6  }
0xb: {  	s15 =	smul.u32 $0x2710, s9;
	s25 =	sor.u32 s9, s23;
	s26 =	sshrl.u32 s24, $0x1  }
0xc: {  	s23 =	simm.s32 $0x100;
	s10 =	sadd.s32 s11, s10;
	s12 =	sshrl.u32 s12, $0x2  }
0xd: {  	s14 =	ssub.s32 s24, s26;
	s15 =	sadd.s32 s15, s29;
	s24 =	simm.s32 $0x1  }
0xe: {  	s26 =	simm.s32 $0x2;
	s10 =	sshrl.u32 s10, $0x3;
	s18 =	sadd.s32 s12, s2  }
0xf: {  	s31 =	sadd.s32 $0x50, s15;
	s13 =	sadd.s32 s10, s8;
	s10 =	smul.u32 $0x2710, s25  }
0x10: {  	s14 =	smax.u32 s14, $0x1;
	s15 =	sadd.s32 $0xA0, s15;
	s8 =	sor.u32 $0x1C03, s30  }
0x11: {  	s17 =	sshrl.u32 s31, $0x3;
	s18 =	sshrl.u32 s18, $0x3;
	s10 =	sshrl.u32 s10, $0x3  }
0x12: {  	s25 =	simm.s32 $0x180;
	s13 =	sadd.s32 $0x18A00, s13;
	s16 =	sadd.s32 $0x4D8, s10  }
0x13: {  	s9 =	sadd.s32 s5, s10;
	s10 =	sadd.s32 s6, s10;
	s11 =	sadd.s32 s5, s16  }
0x14: {  	s12 =	sadd.s32 s6, s16;
	s16 =	sadd.s32 s17, s6;
	s17 =	sadd.s32 s17, s5  }
.LBB2_1:
0x15: {  	[spmem:s18], [sflag:s8] =	dma.local [hbm:s7], $0x2800  }
0x16: {  	_ =	swait.ge [sflag:s19], $0x2800  }
0x17: {  	[sflag:s19] =	ssyncset.done $0x0  }
0x18: {  	[sflag:s19] =	ssyncadd.s32 $0xFFFFD800  }
0x19: {  	[bflag:$0x0] =	sbarrier.arrive $0xFFFF  }
0x1a: {  	[tilespmem:s4], [sflag:$0x3] =	stream.linear.gather [hbm4b:s9+s4], $0x50, $0x38;
	[tilespmem:$0x16A00] =	vst v63  }
0x1b: {  	_ =	swait.ge [sflag:s19], $0x50  }
0x1c: {  	[sflag:s19] =	ssyncset.done $0x0  }
0x1d: {  	[sflag:s19] =	ssyncadd.s32 $0xFFFFFFB0  }
0x1e: {  	[tilespmem:s20], [sflag:$0x3] =	stream.linear.gather [hbm4b:s10+s4], $0x50, $0x38;
	[tilespmem:$0x16A00] =	vst v63  }
0x1f: {  	_ =	swait.ge [sflag:s19], $0x50  }
0x20: {  	[sflag:s19] =	ssyncset.done $0x0  }
0x21: {  	[sflag:s19] =	ssyncadd.s32 $0xFFFFFFB0  }
0x22: {  	[tilespmem:s22], [sflag:$0x1] =	stream.indirect.gather [hbm4b:s1+s21], $0x80, s4, s21, $0xb8;
	[tilespmem:$0x16A00] =	vst v63  }
0x23: {  	s29 =	sadd.s32 $0x0, s17  }
0x24: {  	[tilespmem:s23], [sflag:$0x3] =	stream.linear.gather [hbm4b:s29+s4], $0x50, $0x38;
	[tilespmem:$0x16A00] =	vst v63  }
0x25: {  	_ =	swait.ge [sflag:s19], $0x50  }
0x26: {  	[sflag:s19] =	ssyncset.done $0x0  }
0x27: {  	[sflag:s19] =	ssyncadd.s32 $0xFFFFFFB0  }
0x28: {  	_ =	swait.ge [sflag:s24], $0x2800  }
0x29: {  	[sflag:s24] =	ssyncset.done $0x0  }
0x2a: {  	[sflag:s24] =	ssyncadd.s32 $0xFFFFD800  }
0x2b: {  	[spmem:s2] =	stream.indirect.scatter.add.f32 [tilespmem:s22], [sflag:$0x2], $0x80, s20, s21, $0xb8;
	[tilespmem:$0x16A00] =	vst v63  }
0x2c: {  	s29 =	sadd.s32 $0x0, s16  }
0x2d: {  	[tilespmem:s25], [sflag:$0x3] =	stream.linear.gather [hbm4b:s29+s4], $0x50, $0x38;
	[tilespmem:$0x16A00] =	vst v63  }
0x2e: {  	_ =	swait.ge [sflag:s19], $0x50  }
0x2f: {  	[sflag:s19] =	ssyncset.done $0x0  }
0x30: {  	[sflag:s19] =	ssyncadd.s32 $0xFFFFFFB0  }
0x31: {  	_ =	swait.ge [sflag:s26], $0x2800  }
0x32: {  	[sflag:s26] =	ssyncset.done $0x0  }
0x33: {  	s29 =	sshrl.u32 s15, $0x3;
	[sflag:s26] =	ssyncadd.s32 $0xFFFFD800  }
0x34: {  	[tilespmem:s22], [sflag:$0x1] =	stream.indirect.gather [hbm4b:s1+s21], $0x80, s23, s21, $0xb8;
	[tilespmem:$0x16A00] =	vst v63  }
0x35: {  	s30 =	sadd.s32 s5, s29  }
0x36: {  	[tilespmem:s4], [sflag:$0x3] =	stream.linear.gather [hbm4b:s30+s4], $0x50, $0x38;
	[tilespmem:$0x16A00] =	vst v63  }
0x37: {  	_ =	swait.ge [sflag:s19], $0x50  }
0x38: {  	[sflag:s19] =	ssyncset.done $0x0  }
0x39: {  	[sflag:s19] =	ssyncadd.s32 $0xFFFFFFB0  }
0x3a: {  	_ =	swait.ge [sflag:s24], $0x2800  }
0x3b: {  	[sflag:s24] =	ssyncset.done $0x0  }
0x3c: {  	[sflag:s24] =	ssyncadd.s32 $0xFFFFD800  }
0x3d: {  	[spmem:s2] =	stream.indirect.scatter.add.f32 [tilespmem:s22], [sflag:$0x2], $0x80, s25, s21, $0xb8;
	[tilespmem:$0x16A00] =	vst v63  }
0x3e: {  	s29 =	sadd.s32 s6, s29  }
0x3f: {  	[tilespmem:s20], [sflag:$0x3] =	stream.linear.gather [hbm4b:s29+s4], $0x50, $0x38;
	[tilespmem:$0x16A00] =	vst v63  }
0x40: {  	_ =	swait.ge [sflag:s19], $0x50  }
0x41: {  	[sflag:s19] =	ssyncset.done $0x0  }
0x42: {  	[sflag:s19] =	ssyncadd.s32 $0xFFFFFFB0  }
0x43: {  	_ =	swait.ge [sflag:s26], $0x2800  }
0x44: {  	s30 =	smov.u32 s15;
	s29 =	simm.s32 $0x14;
	[sflag:s26] =	ssyncset.done $0x0  }
.LBB2_2:
0x45: {  	p0 =	sne.s32 s29, $0x4C4;
	[sflag:s26] =	ssyncadd.s32 $0xFFFFD800;
	s30 =	sadd.s32 $0xA0, s30  }
0x46: {  	[tilespmem:s22], [sflag:$0x1] =	stream.indirect.gather [hbm4b:s1+s21], $0x80, s4, s21, $0xb8;
	[tilespmem:$0x16A00] =	vst v63  }
0x47: {  	s31 =	sadd.s32 s29, s17;
	s0 =	smov.u32 s29;
	s29 =	sadd.s32 $0x14, s29  }
0x48: {  	[tilespmem:s23], [sflag:$0x3] =	stream.linear.gather [hbm4b:s31+s4], $0x50, $0x38;
	[tilespmem:$0x16A00] =	vst v63  }
0x49: {  	_ =	swait.ge [sflag:s19], $0x50  }
0x4a: {  	[sflag:s19] =	ssyncset.done $0x0  }
0x4b: {  	[sflag:s19] =	ssyncadd.s32 $0xFFFFFFB0  }
0x4c: {  	_ =	swait.ge [sflag:s24], $0x2800  }
0x4d: {  	[sflag:s24] =	ssyncset.done $0x0  }
0x4e: {  	[sflag:s24] =	ssyncadd.s32 $0xFFFFD800  }
0x4f: {  	[spmem:s2] =	stream.indirect.scatter.add.f32 [tilespmem:s22], [sflag:$0x2], $0x80, s20, s21, $0xb8;
	[tilespmem:$0x16A00] =	vst v63  }
0x50: {  	s0 =	sadd.s32 s0, s16  }
0x51: {  	[tilespmem:s25], [sflag:$0x3] =	stream.linear.gather [hbm4b:s0+s4], $0x50, $0x38;
	[tilespmem:$0x16A00] =	vst v63  }
0x52: {  	_ =	swait.ge [sflag:s19], $0x50  }
0x53: {  	[sflag:s19] =	ssyncset.done $0x0  }
0x54: {  	[sflag:s19] =	ssyncadd.s32 $0xFFFFFFB0  }
0x55: {  	_ =	swait.ge [sflag:s26], $0x2800  }
0x56: {  	[sflag:s26] =	ssyncset.done $0x0  }
0x57: {  	s0 =	sshrl.u32 s30, $0x3;
	[sflag:s26] =	ssyncadd.s32 $0xFFFFD800  }
0x58: {  	[tilespmem:s22], [sflag:$0x1] =	stream.indirect.gather [hbm4b:s1+s21], $0x80, s23, s21, $0xb8;
	[tilespmem:$0x16A00] =	vst v63  }
0x59: {  	s31 =	sadd.s32 s5, s0  }
0x5a: {  	[tilespmem:s4], [sflag:$0x3] =	stream.linear.gather [hbm4b:s31+s4], $0x50, $0x38;
	[tilespmem:$0x16A00] =	vst v63  }
0x5b: {  	_ =	swait.ge [sflag:s19], $0x50  }
0x5c: {  	[sflag:s19] =	ssyncset.done $0x0  }
0x5d: {  	[sflag:s19] =	ssyncadd.s32 $0xFFFFFFB0  }
0x5e: {  	_ =	swait.ge [sflag:s24], $0x2800  }
0x5f: {  	[sflag:s24] =	ssyncset.done $0x0  }
0x60: {  	[sflag:s24] =	ssyncadd.s32 $0xFFFFD800  }
0x61: {  	[spmem:s2] =	stream.indirect.scatter.add.f32 [tilespmem:s22], [sflag:$0x2], $0x80, s25, s21, $0xb8;
	[tilespmem:$0x16A00] =	vst v63  }
0x62: {  	s0 =	sadd.s32 s6, s0  }
0x63: {  	[tilespmem:s20], [sflag:$0x3] =	stream.linear.gather [hbm4b:s0+s4], $0x50, $0x38;
	[tilespmem:$0x16A00] =	vst v63  }
.Ltmp0:
0x64: {  	_ =	swait.ge [sflag:s19], $0x50;
	(pc) =	sbr.rel @p0 .LBB2_2-.Ltmp0, $4  }
0x65: {  	[sflag:s19] =	ssyncset.done $0x0  }
0x66: {  	[sflag:s19] =	ssyncadd.s32 $0xFFFFFFB0  }
0x67: {  	_ =	swait.ge [sflag:s26], $0x2800  }
0x68: {  	[sflag:s26] =	ssyncset.done $0x0  }
0x69: {  	[sflag:s26] =	ssyncadd.s32 $0xFFFFD800  }
0x6a: {  	[tilespmem:s22], [sflag:$0x1] =	stream.indirect.gather [hbm4b:s1+s21], $0x80, s4, s21, $0xb8;
	[tilespmem:$0x16A00] =	vst v63  }
0x6b: {  	_ = 	snop  }
0x6c: {  	[tilespmem:s23], [sflag:$0x3] =	stream.linear.gather [hbm4b:s11+s4], $0x50, $0x38;
	[tilespmem:$0x16A00] =	vst v63  }
0x6d: {  	_ =	swait.ge [sflag:s19], $0x50  }
0x6e: {  	[sflag:s19] =	ssyncset.done $0x0  }
0x6f: {  	[sflag:s19] =	ssyncadd.s32 $0xFFFFFFB0  }
0x70: {  	_ =	swait.ge [sflag:s24], $0x2800  }
0x71: {  	[sflag:s24] =	ssyncset.done $0x0  }
0x72: {  	[sflag:s24] =	ssyncadd.s32 $0xFFFFD800  }
0x73: {  	[spmem:s2] =	stream.indirect.scatter.add.f32 [tilespmem:s22], [sflag:$0x2], $0x80, s20, s21, $0xb8;
	[tilespmem:$0x16A00] =	vst v63  }
0x74: {  	_ = 	snop  }
0x75: {  	[tilespmem:s25], [sflag:$0x3] =	stream.linear.gather [hbm4b:s12+s4], $0x50, $0x38;
	[tilespmem:$0x16A00] =	vst v63  }
0x76: {  	_ =	swait.ge [sflag:s19], $0x50  }
0x77: {  	[sflag:s19] =	ssyncset.done $0x0  }
0x78: {  	[sflag:s19] =	ssyncadd.s32 $0xFFFFFFB0  }
0x79: {  	_ =	swait.ge [sflag:s26], $0x2800  }
0x7a: {  	s28 =	sadd.s32 $0x1, s28;
	[sflag:s26] =	ssyncset.done $0x0  }
0x7b: {  	p0 =	sne.s32 s28, s14;
	[sflag:s26] =	ssyncadd.s32 $0xFFFFD800  }
.Ltmp1:
0x7c: {  	[bflag:$0x0] =	sbarrier.arrive $0xFFFF;
	(pc) =	sbr.rel @p0 .LBB2_1-.Ltmp1, $4  }
0x7d: {  	[hbm:s13], [sflag:s8] =	dma.local [spmem:s18], $0x2800  }
0x7e: {  	_ =	swait.ge [sflag:s19], $0x2800  }
0x7f: {  	[sflag:s19] =	ssyncset.done $0x0  }
0x80: {  	[sflag:s19] =	ssyncadd.s32 $0xFFFFD800  }
0x81: {  	_ =	sfence.sel $0x180000  }
0x82: {  	[bflag:$0x0] =	sbarrier.arrive $0xFFFF  }
0x83: {  	_ =	strace $0x90000047  }
0x84: {  	[bflag:$0x2] =	sbarrier.arrive $0xFFFF  }
0x85: {  	p0 =	sne.s32 s3, $0x0;
	s0 =	rddreg [dreg:$0x3]  }
0x86: {  	s0 =	sadd.s32 @!p0 $0x100000, s0  }
0x87: {  	[sflag:s0] =	ssyncadd.tile.s32 @!p0 $0x1;
	_ =	shalt  }
.Lfunc_end2:
_tile_overlayer_lowered:
.L_overlay_start_2:
0x88: {  	(tag) =	ssettag $0x2  }
0x89: {  	s0 =	rddreg [dreg:$0x0];
	s2 =	stileid.u32  }
0x8a: {  	s1 =	rddreg [dreg:$0x1];
	p0 =	sne.s32 s2, $0x0  }
0x8b: {  	s3 =	rddreg [dreg:$0x2];
	[bflag:$0x3] =	sbarrier.arrive $0xFFFF;
	s2 =	simm.s32 @!p0 $0x1C03  }
0x8c: {  	[timem:s3], [sflag:s2] =	dma.local @!p0 [hbm:s0], s1  }
0x8d: {  	s0 =	simm.s32 @!p0 $0x3  }
0x8e: {  	_ =	swait.ge @!p0 [sflag:s0], s1  }
0x8f: {  	s1 =	ssub.s32 @!p0 $0x0, s1;
	[sflag:s0] =	ssyncset.done @!p0 $0x0  }
0x90: {  	[sflag:s0] =	ssyncadd.s32 @!p0 s1  }
0x91: {  	[bflag:$0x3] =	sbarrier.arrive $0xFFFF  }
0x92: {  	_ =	shalt  }

</sc_bundles>
